<compile_context>
chip_gen: v7x
topology: tpu7x:2x2x1
jax: 0.10.2.dev20260603
libtpu: 0.0.44.dev20260713+nightly
codegen_flags: <defaults>
</compile_context>

<pallas_src>
import functools
import jax
import jax.numpy as jnp
from jax import lax
from jax.experimental import pallas as pl
from jax.experimental.pallas import tpu as pltpu
from jax.experimental.pallas import tpu_sc as plsc

_IDX_BITS = 9
_KEY_MASK = -(1 << _IDX_BITS)
_BIAS = 1 << 23

_NW = 32
_C = 16


def _nn_body(xt_ref, xs_ref, fs_ref, w1a_ref, idx_ref, wts_ref, g_ref):
    n_t = xt_ref.shape[1]
    n_s = xs_ref.shape[2]
    b = pl.program_id(0)

    d2 = jnp.zeros((n_t, n_s), jnp.float32)
    for d in range(3):
        tcol = xt_ref[0, :, d:d + 1]
        srow = xs_ref[0, d:d + 1, :]
        diff = tcol - srow
        d2 = d2 + diff * diff

    s_iota = jax.lax.broadcasted_iota(jnp.int32, (n_t, n_s), 1)
    keyi = ((jax.lax.bitcast_convert_type(d2, jnp.int32)
             + (1 << (_IDX_BITS - 1))) & _KEY_MASK) | s_iota
    keyf = jax.lax.bitcast_convert_type(keyi + _BIAS, jnp.float32)

    masked = keyf
    mks = []
    for r in range(3):
        mk = jnp.min(masked, axis=1, keepdims=True)
        mks.append(mk)
        if r < 2:
            masked = jnp.where(masked == mk, jnp.inf, masked)

    rs = []
    idxs = []
    for mk in mks:
        bits = jax.lax.bitcast_convert_type(mk, jnp.int32) - _BIAS
        idxs.append((bits & ((1 << _IDX_BITS) - 1)) + b * n_s)
        d2k = jax.lax.bitcast_convert_type(bits & _KEY_MASK, jnp.float32)
        rs.append(jax.lax.rsqrt(jnp.maximum(d2k, 1e-20)))
    norm = rs[0] + rs[1] + rs[2]
    inv = 1.0 / (norm * (1.0 + 1e-6))
    cs = [r * inv for r in rs]

    idx_ref[0] = jnp.concatenate(idxs, axis=1)
    wts_ref[0] = jnp.concatenate(
        cs + [jnp.zeros((n_t, 13), jnp.float32)], axis=1)
    g_ref[0] = jnp.dot(fs_ref[0], w1a_ref[...],
                       preferred_element_type=jnp.float32)


def _mlp_body(acc_ref, ft_ref, w1b_ref, w2_ref, out_ref):
    h = acc_ref[0] + jnp.dot(ft_ref[0], w1b_ref[...],
                             preferred_element_type=jnp.float32)
    h = jnp.maximum(h, 0.0)
    out = jnp.dot(h, w2_ref[...], preferred_element_type=jnp.float32)
    out_ref[0] = jnp.maximum(out, 0.0)


def _sc_gather(idx_hbm, wts_hbm, g_hbm, out_hbm,
               idx_v, wts_v, rows0, rows1, ob0, ob1,
               sem_r0, sem_r1, sem_o0, sem_o1):
    n_tot = out_hbm.shape[0]
    d_out = out_hbm.shape[1]
    pw = n_tot // _NW
    nc = pw // _C
    wid = lax.axis_index("s") * 2 + lax.axis_index("c")
    base = wid * pw

    pltpu.sync_copy(idx_hbm.at[pl.ds(base * 3, pw * 3)], idx_v)
    pltpu.sync_copy(wts_hbm.at[pl.ds(base, pw)], wts_v)

    def gather(ci, rows, sem):
        return pltpu.async_copy(
            g_hbm.at[idx_v.at[pl.ds(ci * (3 * _C), 3 * _C)]], rows, sem)

    def gather_wait(ci, rows, sem):
        pltpu.make_async_copy(
            g_hbm.at[idx_v.at[pl.ds(ci * (3 * _C), 3 * _C)]], rows,
            sem).wait()

    gather(0, rows0, sem_r0)
    gather(1, rows1, sem_r1)

    def compute(ci, rows, ob):
        toff = ci * _C

        def tgt(i, _):
            wv = wts_v[toff + i]
            w0 = wv[0]
            w1 = wv[1]
            w2 = wv[2]
            for v in range(d_out // 16):
                sl = pl.ds(v * 16, 16)
                a = rows[3 * i, sl] * w0
                a = a + rows[3 * i + 1, sl] * w1
                a = a + rows[3 * i + 2, sl] * w2
                ob[i, sl] = a
            return 0

        lax.fori_loop(0, _C, tgt, 0)

    def phase(j, ci, rows, sem_r, ob, sem_o):
        gather_wait(ci, rows, sem_r)

        @pl.when(j > 0)
        def _():
            pltpu.make_async_copy(ob, out_hbm.at[pl.ds(base, _C)],
                                  sem_o).wait()

        compute(ci, rows, ob)
        pltpu.async_copy(ob, out_hbm.at[pl.ds(base + ci * _C, _C)], sem_o)

        @pl.when(ci + 2 <= nc - 1)
        def _():
            gather(ci + 2, rows, sem_r)

    def pair(j, _):
        phase(j, 2 * j, rows0, sem_r0, ob0, sem_o0)
        phase(j, 2 * j + 1, rows1, sem_r1, ob1, sem_o1)
        return 0

    lax.fori_loop(0, nc // 2, pair, 0)
    pltpu.make_async_copy(ob0, out_hbm.at[pl.ds(base, _C)], sem_o0).wait()
    pltpu.make_async_copy(ob1, out_hbm.at[pl.ds(base, _C)], sem_o1).wait()


@jax.jit
def kernel(xyz_target, xyz_source, feats_target, feats_source, W1, W2):
    bs, n_t, _ = xyz_target.shape
    n_s = xyz_source.shape[1]
    c_t = feats_target.shape[2]
    c_s = feats_source.shape[2]
    c_mid = W1.shape[1]

    xs = jnp.transpose(xyz_source, (0, 2, 1))
    W1a = W1[:c_s]
    W1b = W1[c_s:]

    idx3, wts3, g = pl.pallas_call(
        _nn_body,
        grid=(bs,),
        in_specs=[
            pl.BlockSpec((1, n_t, 3), lambda b: (b, 0, 0)),
            pl.BlockSpec((1, 3, n_s), lambda b: (b, 0, 0)),
            pl.BlockSpec((1, n_s, c_s), lambda b: (b, 0, 0)),
            pl.BlockSpec((c_s, c_mid), lambda b: (0, 0)),
        ],
        out_specs=[
            pl.BlockSpec((1, n_t, 3), lambda b: (b, 0, 0)),
            pl.BlockSpec((1, n_t, 16), lambda b: (b, 0, 0)),
            pl.BlockSpec((1, n_s, c_mid), lambda b: (b, 0, 0)),
        ],
        out_shape=[
            jax.ShapeDtypeStruct((bs, n_t, 3), jnp.int32),
            jax.ShapeDtypeStruct((bs, n_t, 16), jnp.float32),
            jax.ShapeDtypeStruct((bs, n_s, c_mid), jnp.float32),
        ],
    )(xyz_target, xs, feats_source, W1a)

    idx_flat = idx3.reshape(bs * n_t * 3)
    wts_flat = wts3.reshape(bs * n_t, 16)
    g_flat = g.reshape(bs * n_s, c_mid)

    sc = pl.kernel(
        _sc_gather,
        out_type=jax.ShapeDtypeStruct((bs * n_t, c_mid), jnp.float32),
        mesh=plsc.VectorSubcoreMesh(core_axis_name="c", subcore_axis_name="s"),
        scratch_types=[
            pltpu.VMEM((bs * n_t * 3 // _NW,), jnp.int32),
            pltpu.VMEM((bs * n_t // _NW, 16), jnp.float32),
            pltpu.VMEM((3 * _C, c_mid), jnp.float32),
            pltpu.VMEM((3 * _C, c_mid), jnp.float32),
            pltpu.VMEM((_C, c_mid), jnp.float32),
            pltpu.VMEM((_C, c_mid), jnp.float32),
            pltpu.SemaphoreType.DMA,
            pltpu.SemaphoreType.DMA,
            pltpu.SemaphoreType.DMA,
            pltpu.SemaphoreType.DMA,
        ],
    )
    acc = sc(idx_flat, wts_flat, g_flat)
    acc = acc.reshape(bs, n_t, c_mid)

    out = pl.pallas_call(
        _mlp_body,
        grid=(bs,),
        in_specs=[
            pl.BlockSpec((1, n_t, c_mid), lambda b: (b, 0, 0)),
            pl.BlockSpec((1, n_t, c_t), lambda b: (b, 0, 0)),
            pl.BlockSpec((c_t, c_mid), lambda b: (0, 0)),
            pl.BlockSpec(W2.shape, lambda b: (0, 0)),
        ],
        out_specs=pl.BlockSpec((1, n_t, W2.shape[1]), lambda b: (b, 0, 0)),
        out_shape=jax.ShapeDtypeStruct((bs, n_t, W2.shape[1]), jnp.float32),
    )(acc, feats_target, W1b, W2)
    return out

# --- scband reference (transcript-rebuilt; emitter-appended) ---
"""Pipeline reference for scband-pointnet-fp-75282186764343 (READ-ONLY COPY).

The authoritative reference and input builder live on the scoring server;
editing this copy changes nothing except your own understanding.
"""

import jax, jax.numpy as jnp
import numpy as np


def setup_inputs(seed: int = 0) -> dict:
    key = jax.random.key(seed)
    k1, k2, k3, k4, k5, k6 = jax.random.split(key, 6)
    bs, n_t, n_s = 8, 2048, 512
    c_t, c_s = 128, 256
    xyz_target = jax.random.normal(k1, (bs, n_t, 3), dtype=jnp.float32)
    xyz_source = jax.random.normal(k2, (bs, n_s, 3), dtype=jnp.float32)
    feats_target = jax.random.normal(k3, (bs, n_t, c_t), dtype=jnp.float32)
    feats_source = jax.random.normal(k4, (bs, n_s, c_s), dtype=jnp.float32)
    # SharedMlP weights: 1x1 conv kernels == dense matmuls over channel dim
    W1 = jax.random.normal(k5, (c_s + c_t, 256), dtype=jnp.float32) * 0.05
    W2 = jax.random.normal(k6, (256, 128), dtype=jnp.float32) * 0.05
    return {"xyz_target": xyz_target, "xyz_source": xyz_source,
            "feats_target": feats_target, "feats_source": feats_source,
            "W1": W1, "W2": W2}


def _three_nn(xyz_source, xyz_target):
    # dis[b, t, s] = || xyz_source[b, s] - xyz_target[b, t] ||
    diff = xyz_source[:, None, :, :] - xyz_target[:, :, None, :]
    dis = jnp.linalg.norm(diff, axis=-1)
    neg_dis, neighbour_idx = jax.lax.top_k(-1.0 * dis, 3)
    neighbour_dis = jnp.maximum(-1.0 * neg_dis, 1e-10)
    norm = jnp.sum(1.0 / neighbour_dis, axis=2, keepdims=True)
    weight = 1.0 / neighbour_dis / norm
    return weight, neighbour_idx


def _three_interpolate(feats_source, idx, weights):
    weights_sum = jnp.sum(weights, axis=-1, keepdims=True) + 1e-06
    # batched gather (batch_dims=1): feats_selected[b, t, k, c] = feats_source[b, idx[b, t, k], c]
    feats_selected = jax.vmap(lambda f, i: f[i])(feats_source, idx)
    inter_feats = jnp.sum(weights[..., None] * feats_selected, axis=2) / weights_sum
    return inter_feats


def reference(xyz_target, xyz_source, feats_target, feats_source, W1, W2):
    weight, neighbour_idx = _three_nn(xyz_source, xyz_target)
    interpolated_feats = _three_interpolate(feats_source, neighbour_idx, weight)
    new_feats = jnp.concatenate([interpolated_feats, feats_target], axis=2)
    # SharedMlP layers: 1x1 conv (no bias, bn=False) + relu == matmul + relu
    new_feats = jax.nn.relu(new_feats @ W1)
    new_feats = jax.nn.relu(new_feats @ W2)
    return new_feats

if __name__ == "__main__":
    import jax
    _d = setup_inputs()
    print(jax.jit(kernel)(*tuple(_d.values())))

</pallas_src>

<mosaic_0001>
#map = affine_map<(d0, d1) -> (0)>
#map1 = affine_map<(d0, d1) -> (0, 0)>
module attributes {stable_mosaic.version = 14 : i64} {
  func.func @_sc_gather(%arg0: i32, %arg1: i32, %arg2: memref<49152xi32, #tpu.memory_space<hbm>>, %arg3: memref<16384x16xf32, #tpu.memory_space<hbm>>, %arg4: memref<4096x256xf32, #tpu.memory_space<hbm>>, %arg5: memref<16384x256xf32, #tpu.memory_space<hbm>>, %arg6: memref<1536xi32, #tpu.memory_space<vmem>>, %arg7: memref<512x16xf32, #tpu.memory_space<vmem>>, %arg8: memref<48x256xf32, #tpu.memory_space<vmem>>, %arg9: memref<48x256xf32, #tpu.memory_space<vmem>>, %arg10: memref<16x256xf32, #tpu.memory_space<vmem>>, %arg11: memref<16x256xf32, #tpu.memory_space<vmem>>, %arg12: memref<!tpu.dma_semaphore, #tpu.memory_space<semaphore_mem>>, %arg13: memref<!tpu.dma_semaphore, #tpu.memory_space<semaphore_mem>>, %arg14: memref<!tpu.dma_semaphore, #tpu.memory_space<semaphore_mem>>, %arg15: memref<!tpu.dma_semaphore, #tpu.memory_space<semaphore_mem>>) attributes {dimension_semantics = [#tpu.dimension_semantics<core_parallel>, #tpu.dimension_semantics<subcore_parallel>], iteration_bounds = array<i64: 2, 16>, scalar_prefetch = 0 : i64, scratch_operands = 10 : i64, tpu.core_type = #tpu.core_type<sc_vector_subcore>, window_params = [{transform_indices = #map}, {transform_indices = #map1}, {transform_indices = #map1}, {transform_indices = #map1}]} {
    %mul3A = arith.constant 2 : i32
    %mul3A_0 = arith.muli %arg1, %mul3A : i32
    %add3A = arith.addi %mul3A_0, %arg0 : i32
    %mul3A_1 = arith.constant 512 : i32
    %mul3A_2 = arith.muli %add3A, %mul3A_1 : i32
    %mul3A_3 = arith.constant 3 : i32
    %mul3A_4 = arith.muli %mul3A_2, %mul3A_3 : i32
    "tpu.region"() ({
      %run_scoped3A = tpu.sem_alloc : memref<!tpu.dma_semaphore, #tpu.memory_space<semaphore_mem>>
      %dma_start3A_27 = tpu.memref_slice %arg2[%mul3A_4] : memref<49152xi32, #tpu.memory_space<hbm>> -> memref<1536xi32, #tpu.memory_space<hbm>>
      %dma_start3A_28 = tpu.memref_slice %arg2[%mul3A_4] : memref<49152xi32, #tpu.memory_space<hbm>> -> memref<1536xi32, #tpu.memory_space<hbm>>
      tpu.enqueue_dma source(%dma_start3A_28 : memref<1536xi32, #tpu.memory_space<hbm>>) target(%arg6 : memref<1536xi32, #tpu.memory_space<vmem>>) target_semaphore(%run_scoped3A : memref<!tpu.dma_semaphore, #tpu.memory_space<semaphore_mem>>)
      %dma_wait3A_29 = tpu.memref_slice %arg2[%mul3A_4] : memref<49152xi32, #tpu.memory_space<hbm>> -> memref<1536xi32, #tpu.memory_space<hbm>>
      %dma_wait3A_30 = tpu.memref_slice %arg2[%mul3A_4] : memref<49152xi32, #tpu.memory_space<hbm>> -> memref<1536xi32, #tpu.memory_space<hbm>>
      tpu.wait_dma2 semaphore(%run_scoped3A : memref<!tpu.dma_semaphore, #tpu.memory_space<semaphore_mem>>) src(%dma_wait3A_30 : memref<1536xi32, #tpu.memory_space<hbm>>) dst(%arg6 : memref<1536xi32, #tpu.memory_space<vmem>>)
      tpu.yield
    }) : () -> ()
    "tpu.region"() ({
      %run_scoped3A = tpu.sem_alloc : memref<!tpu.dma_semaphore, #tpu.memory_space<semaphore_mem>>
      %dma_start3A_27 = arith.constant 0 : i32
      %dma_start3A_28 = tpu.memref_slice %arg3[%mul3A_2, %dma_start3A_27] : memref<16384x16xf32, #tpu.memory_space<hbm>> -> memref<512x16xf32, #tpu.memory_space<hbm>>
      %dma_start3A_29 = arith.constant 0 : i32
      %dma_start3A_30 = tpu.memref_slice %arg3[%mul3A_2, %dma_start3A_29] : memref<16384x16xf32, #tpu.memory_space<hbm>> -> memref<512x16xf32, #tpu.memory_space<hbm>>
      tpu.enqueue_dma source(%dma_start3A_30 : memref<512x16xf32, #tpu.memory_space<hbm>>) target(%arg7 : memref<512x16xf32, #tpu.memory_space<vmem>>) target_semaphore(%run_scoped3A : memref<!tpu.dma_semaphore, #tpu.memory_space<semaphore_mem>>)
      %dma_wait3A_31 = arith.constant 0 : i32
      %dma_wait3A_32 = tpu.memref_slice %arg3[%mul3A_2, %dma_wait3A_31] : memref<16384x16xf32, #tpu.memory_space<hbm>> -> memref<512x16xf32, #tpu.memory_space<hbm>>
      %dma_wait3A_33 = arith.constant 0 : i32
      %dma_wait3A_34 = tpu.memref_slice %arg3[%mul3A_2, %dma_wait3A_33] : memref<16384x16xf32, #tpu.memory_space<hbm>> -> memref<512x16xf32, #tpu.memory_space<hbm>>
      tpu.wait_dma2 semaphore(%run_scoped3A : memref<!tpu.dma_semaphore, #tpu.memory_space<semaphore_mem>>) src(%dma_wait3A_34 : memref<512x16xf32, #tpu.memory_space<hbm>>) dst(%arg7 : memref<512x16xf32, #tpu.memory_space<vmem>>)
      tpu.yield
    }) : () -> ()
    %dma_start3A = arith.constant 0 : i32
    %dma_start3A_5 = tpu.memref_slice %arg6[%dma_start3A] : memref<1536xi32, #tpu.memory_space<vmem>> -> memref<48xi32, #tpu.memory_space<vmem>>
    %dma_start3A_6 = arith.constant 0 : i32
    %dma_start3A_7 = arith.constant 0 : i32
    %dma_start3A_8 = tpu.memref_slice %arg4[%dma_start3A_6, %dma_start3A_7] : memref<4096x256xf32, #tpu.memory_space<hbm>> -> memref<4096x256xf32, #tpu.memory_space<hbm>>
    tpu.enqueue_indirect_dma source(%dma_start3A_8 : memref<4096x256xf32, #tpu.memory_space<hbm>>) target(%arg8 : memref<48x256xf32, #tpu.memory_space<vmem>>) offsets(%dma_start3A_5 : memref<48xi32, #tpu.memory_space<vmem>>) semaphore(%arg12 : memref<!tpu.dma_semaphore, #tpu.memory_space<semaphore_mem>>)
    %dma_start3A_9 = arith.constant 48 : i32
    %dma_start3A_10 = tpu.memref_slice %arg6[%dma_start3A_9] : memref<1536xi32, #tpu.memory_space<vmem>> -> memref<48xi32, #tpu.memory_space<vmem>>
    %dma_start3A_11 = arith.constant 0 : i32
    %dma_start3A_12 = arith.constant 0 : i32
    %dma_start3A_13 = tpu.memref_slice %arg4[%dma_start3A_11, %dma_start3A_12] : memref<4096x256xf32, #tpu.memory_space<hbm>> -> memref<4096x256xf32, #tpu.memory_space<hbm>>
    tpu.enqueue_indirect_dma source(%dma_start3A_13 : memref<4096x256xf32, #tpu.memory_space<hbm>>) target(%arg9 : memref<48x256xf32, #tpu.memory_space<vmem>>) offsets(%dma_start3A_10 : memref<48xi32, #tpu.memory_space<vmem>>) semaphore(%arg13 : memref<!tpu.dma_semaphore, #tpu.memory_space<semaphore_mem>>)
    %scan3A = arith.constant 0 : i32
    %scan3A_14 = arith.constant 0 : i32
    %scan3A_15 = arith.constant 16 : i32
    %scan3A_16 = arith.addi %scan3A_14, %scan3A_15 : i32
    %scan3A_17 = arith.constant 1 : i32
    %scan3A_18 = scf.for %scan3A_27 = %scan3A_14 to %scan3A_16 step %scan3A_17 iter_args(%scan3A_28 = %scan3A) -> (i32)  : i32 {
      %mul3A_29 = arith.constant 2 : i32
      %mul3A_30 = arith.muli %mul3A_29, %scan3A_27 : i32
      %mul3A_31 = arith.constant 48 : i32
      %mul3A_32 = arith.muli %mul3A_30, %mul3A_31 : i32
      %dma_wait3A_33 = tpu.memref_slice %arg6[%mul3A_32] : memref<1536xi32, #tpu.memory_space<vmem>> -> memref<48xi32, #tpu.memory_space<vmem>>
      %dma_wait3A_34 = arith.constant 0 : i32
      %dma_wait3A_35 = arith.constant 0 : i32
      %dma_wait3A_36 = tpu.memref_slice %arg4[%dma_wait3A_34, %dma_wait3A_35] : memref<4096x256xf32, #tpu.memory_space<hbm>> -> memref<4096x256xf32, #tpu.memory_space<hbm>>
      tpu.wait_indirect_dma semaphore(%arg12 : memref<!tpu.dma_semaphore, #tpu.memory_space<semaphore_mem>>) src(%dma_wait3A_36 : memref<4096x256xf32, #tpu.memory_space<hbm>>) dst(%arg8 : memref<48x256xf32, #tpu.memory_space<vmem>>)
      %gt3A = arith.constant 0 : i32
      %gt3A_37 = arith.cmpi sgt, %scan3A_27, %gt3A : i32
      %convert_element_type3A = arith.extui %gt3A_37 : i1 to i32
      %cond3A = arith.constant 0 : i32
      %cond3A_38 = arith.cmpi ne, %convert_element_type3A, %cond3A : i32
      scf.if %cond3A_38 {
        %dma_wait3A_100 = arith.constant 0 : i32
        %dma_wait3A_101 = tpu.memref_slice %arg5[%mul3A_2, %dma_wait3A_100] : memref<16384x256xf32, #tpu.memory_space<hbm>> -> memref<16x256xf32, #tpu.memory_space<hbm>>
        %dma_wait3A_102 = arith.constant 0 : i32
        %dma_wait3A_103 = tpu.memref_slice %arg5[%mul3A_2, %dma_wait3A_102] : memref<16384x256xf32, #tpu.memory_space<hbm>> -> memref<16x256xf32, #tpu.memory_space<hbm>>
        tpu.wait_dma2 semaphore(%arg14 : memref<!tpu.dma_semaphore, #tpu.memory_space<semaphore_mem>>) src(%arg10 : memref<16x256xf32, #tpu.memory_space<vmem>>) dst(%dma_wait3A_103 : memref<16x256xf32, #tpu.memory_space<hbm>>)
      } else {
      }
      %mul3A_39 = arith.constant 16 : i32
      %mul3A_40 = arith.muli %mul3A_30, %mul3A_39 : i32
      %scan3A_41 = arith.constant 0 : i32
      %scan3A_42 = arith.constant 0 : i32
      %scan3A_43 = arith.constant 16 : i32
      %scan3A_44 = arith.addi %scan3A_42, %scan3A_43 : i32
      %scan3A_45 = arith.constant 1 : i32
      %scan3A_46 = scf.for %scan3A_100 = %scan3A_42 to %scan3A_44 step %scan3A_45 iter_args(%scan3A_101 = %scan3A_41) -> (i32)  : i32 {
        %add3A_102 = arith.addi %mul3A_40, %scan3A_100 : i32
        %get3A = arith.index_cast %add3A_102 : i32 to index
        %get3A_103 = arith.constant 0 : index
        %get3A_104 = tpu.vector_load %arg7[%get3A, %get3A_103] {strides = array<i32>} : memref<512x16xf32, #tpu.memory_space<vmem>>, vector<1x16xf32>,
        %get3A_105 = vector.shape_cast %get3A_104 : vector<1x16xf32> to vector<16xf32>
        %slice3A = vector.extract_strided_slice %get3A_105 {offsets = [0], sizes = [1], strides = [1]} : vector<16xf32> to vector<1xf32>
        %squeeze3A = vector.extract %slice3A[0] : f32 from vector<1xf32>
        %slice3A_106 = vector.extract_strided_slice %get3A_105 {offsets = [1], sizes = [1], strides = [1]} : vector<16xf32> to vector<1xf32>
        %squeeze3A_107 = vector.extract %slice3A_106[0] : f32 from vector<1xf32>
        %slice3A_108 = vector.extract_strided_slice %get3A_105 {offsets = [2], sizes = [1], strides = [1]} : vector<16xf32> to vector<1xf32>
        %squeeze3A_109 = vector.extract %slice3A_108[0] : f32 from vector<1xf32>
        %mul3A_110 = arith.constant 3 : i32
        %mul3A_111 = arith.muli %mul3A_110, %scan3A_100 : i32
        %get3A_112 = arith.index_cast %mul3A_111 : i32 to index
        %get3A_113 = arith.constant 0 : index
        %get3A_114 = tpu.vector_load %arg8[%get3A_112, %get3A_113] {strides = array<i32>} : memref<48x256xf32, #tpu.memory_space<vmem>>, vector<1x16xf32>,
        %get3A_115 = vector.shape_cast %get3A_114 : vector<1x16xf32> to vector<16xf32>
        %mul3A_116 = vector.broadcast %squeeze3A : f32 to vector<16xf32>
        %mul3A_117 = arith.mulf %get3A_115, %mul3A_116 : vector<16xf32>
        %mul3A_118 = arith.constant 3 : i32
        %mul3A_119 = arith.muli %mul3A_118, %scan3A_100 : i32
        %add3A_120 = arith.constant 1 : i32
        %add3A_121 = arith.addi %mul3A_119, %add3A_120 : i32
        %get3A_122 = arith.index_cast %add3A_121 : i32 to index
        %get3A_123 = arith.constant 0 : index
        %get3A_124 = tpu.vector_load %arg8[%get3A_122, %get3A_123] {strides = array<i32>} : memref<48x256xf32, #tpu.memory_space<vmem>>, vector<1x16xf32>,
        %get3A_125 = vector.shape_cast %get3A_124 : vector<1x16xf32> to vector<16xf32>
        %mul3A_126 = vector.broadcast %squeeze3A_107 : f32 to vector<16xf32>
        %mul3A_127 = arith.mulf %get3A_125, %mul3A_126 : vector<16xf32>
        %add3A_128 = arith.addf %mul3A_117, %mul3A_127 : vector<16xf32>
        %mul3A_129 = arith.constant 3 : i32
        %mul3A_130 = arith.muli %mul3A_129, %scan3A_100 : i32
        %add3A_131 = arith.constant 2 : i32
        %add3A_132 = arith.addi %mul3A_130, %add3A_131 : i32
        %get3A_133 = arith.index_cast %add3A_132 : i32 to index
        %get3A_134 = arith.constant 0 : index
        %get3A_135 = tpu.vector_load %arg8[%get3A_133, %get3A_134] {strides = array<i32>} : memref<48x256xf32, #tpu.memory_space<vmem>>, vector<1x16xf32>,
        %get3A_136 = vector.shape_cast %get3A_135 : vector<1x16xf32> to vector<16xf32>
        %mul3A_137 = vector.broadcast %squeeze3A_109 : f32 to vector<16xf32>
        %mul3A_138 = arith.mulf %get3A_136, %mul3A_137 : vector<16xf32>
        %add3A_139 = arith.addf %add3A_128, %mul3A_138 : vector<16xf32>
        %swap3A = arith.index_cast %scan3A_100 : i32 to index
        %swap3A_140 = arith.constant 0 : index
        %swap3A_141 = tpu.vector_load %arg10[%swap3A, %swap3A_140] {strides = array<i32>} : memref<16x256xf32, #tpu.memory_space<vmem>>, vector<1x16xf32>,
        %swap3A_142 = vector.shape_cast %swap3A_141 : vector<1x16xf32> to vector<16xf32>
        %swap3A_143 = vector.shape_cast %add3A_139 : vector<16xf32> to vector<1x16xf32>
        tpu.vector_store %arg10[%swap3A, %swap3A_140], %swap3A_143 {strides = array<i32>} : memref<16x256xf32, #tpu.memory_space<vmem>>, vector<1x16xf32>,
        %mul3A_144 = arith.constant 3 : i32
        %mul3A_145 = arith.muli %mul3A_144, %scan3A_100 : i32
        %get3A_146 = arith.index_cast %mul3A_145 : i32 to index
        %get3A_147 = arith.constant 16 : index
        %get3A_148 = tpu.vector_load %arg8[%get3A_146, %get3A_147] {strides = array<i32>} : memref<48x256xf32, #tpu.memory_space<vmem>>, vector<1x16xf32>,
        %get3A_149 = vector.shape_cast %get3A_148 : vector<1x16xf32> to vector<16xf32>
        %mul3A_150 = vector.broadcast %squeeze3A : f32 to vector<16xf32>
        %mul3A_151 = arith.mulf %get3A_149, %mul3A_150 : vector<16xf32>
        %mul3A_152 = arith.constant 3 : i32
        %mul3A_153 = arith.muli %mul3A_152, %scan3A_100 : i32
        %add3A_154 = arith.constant 1 : i32
        %add3A_155 = arith.addi %mul3A_153, %add3A_154 : i32
        %get3A_156 = arith.index_cast %add3A_155 : i32 to index
        %get3A_157 = arith.constant 16 : index
        %get3A_158 = tpu.vector_load %arg8[%get3A_156, %get3A_157] {strides = array<i32>} : memref<48x256xf32, #tpu.memory_space<vmem>>, vector<1x16xf32>,
        %get3A_159 = vector.shape_cast %get3A_158 : vector<1x16xf32> to vector<16xf32>
        %mul3A_160 = vector.broadcast %squeeze3A_107 : f32 to vector<16xf32>
        %mul3A_161 = arith.mulf %get3A_159, %mul3A_160 : vector<16xf32>
        %add3A_162 = arith.addf %mul3A_151, %mul3A_161 : vector<16xf32>
        %mul3A_163 = arith.constant 3 : i32
        %mul3A_164 = arith.muli %mul3A_163, %scan3A_100 : i32
        %add3A_165 = arith.constant 2 : i32
        %add3A_166 = arith.addi %mul3A_164, %add3A_165 : i32
        %get3A_167 = arith.index_cast %add3A_166 : i32 to index
        %get3A_168 = arith.constant 16 : index
        %get3A_169 = tpu.vector_load %arg8[%get3A_167, %get3A_168] {strides = array<i32>} : memref<48x256xf32, #tpu.memory_space<vmem>>, vector<1x16xf32>,
        %get3A_170 = vector.shape_cast %get3A_169 : vector<1x16xf32> to vector<16xf32>
        %mul3A_171 = vector.broadcast %squeeze3A_109 : f32 to vector<16xf32>
        %mul3A_172 = arith.mulf %get3A_170, %mul3A_171 : vector<16xf32>
        %add3A_173 = arith.addf %add3A_162, %mul3A_172 : vector<16xf32>
        %swap3A_174 = arith.index_cast %scan3A_100 : i32 to index
        %swap3A_175 = arith.constant 16 : index
        %swap3A_176 = tpu.vector_load %arg10[%swap3A_174, %swap3A_175] {strides = array<i32>} : memref<16x256xf32, #tpu.memory_space<vmem>>, vector<1x16xf32>,
        %swap3A_177 = vector.shape_cast %swap3A_176 : vector<1x16xf32> to vector<16xf32>
        %swap3A_178 = vector.shape_cast %add3A_173 : vector<16xf32> to vector<1x16xf32>
        tpu.vector_store %arg10[%swap3A_174, %swap3A_175], %swap3A_178 {strides = array<i32>} : memref<16x256xf32, #tpu.memory_space<vmem>>, vector<1x16xf32>,
        %mul3A_179 = arith.constant 3 : i32
        %mul3A_180 = arith.muli %mul3A_179, %scan3A_100 : i32
        %get3A_181 = arith.index_cast %mul3A_180 : i32 to index
        %get3A_182 = arith.constant 32 : index
        %get3A_183 = tpu.vector_load %arg8[%get3A_181, %get3A_182] {strides = array<i32>} : memref<48x256xf32, #tpu.memory_space<vmem>>, vector<1x16xf32>,
        %get3A_184 = vector.shape_cast %get3A_183 : vector<1x16xf32> to vector<16xf32>
        %mul3A_185 = vector.broadcast %squeeze3A : f32 to vector<16xf32>
        %mul3A_186 = arith.mulf %get3A_184, %mul3A_185 : vector<16xf32>
        %mul3A_187 = arith.constant 3 : i32
        %mul3A_188 = arith.muli %mul3A_187, %scan3A_100 : i32
        %add3A_189 = arith.constant 1 : i32
        %add3A_190 = arith.addi %mul3A_188, %add3A_189 : i32
        %get3A_191 = arith.index_cast %add3A_190 : i32 to index
        %get3A_192 = arith.constant 32 : index
        %get3A_193 = tpu.vector_load %arg8[%get3A_191, %get3A_192] {strides = array<i32>} : memref<48x256xf32, #tpu.memory_space<vmem>>, vector<1x16xf32>,
        %get3A_194 = vector.shape_cast %get3A_193 : vector<1x16xf32> to vector<16xf32>
        %mul3A_195 = vector.broadcast %squeeze3A_107 : f32 to vector<16xf32>
        %mul3A_196 = arith.mulf %get3A_194, %mul3A_195 : vector<16xf32>
        %add3A_197 = arith.addf %mul3A_186, %mul3A_196 : vector<16xf32>
        %mul3A_198 = arith.constant 3 : i32
        %mul3A_199 = arith.muli %mul3A_198, %scan3A_100 : i32
        %add3A_200 = arith.constant 2 : i32
        %add3A_201 = arith.addi %mul3A_199, %add3A_200 : i32
        %get3A_202 = arith.index_cast %add3A_201 : i32 to index
        %get3A_203 = arith.constant 32 : index
        %get3A_204 = tpu.vector_load %arg8[%get3A_202, %get3A_203] {strides = array<i32>} : memref<48x256xf32, #tpu.memory_space<vmem>>, vector<1x16xf32>,
        %get3A_205 = vector.shape_cast %get3A_204 : vector<1x16xf32> to vector<16xf32>
        %mul3A_206 = vector.broadcast %squeeze3A_109 : f32 to vector<16xf32>
        %mul3A_207 = arith.mulf %get3A_205, %mul3A_206 : vector<16xf32>
        %add3A_208 = arith.addf %add3A_197, %mul3A_207 : vector<16xf32>
        %swap3A_209 = arith.index_cast %scan3A_100 : i32 to index
        %swap3A_210 = arith.constant 32 : index
        %swap3A_211 = tpu.vector_load %arg10[%swap3A_209, %swap3A_210] {strides = array<i32>} : memref<16x256xf32, #tpu.memory_space<vmem>>, vector<1x16xf32>,
        %swap3A_212 = vector.shape_cast %swap3A_211 : vector<1x16xf32> to vector<16xf32>
        %swap3A_213 = vector.shape_cast %add3A_208 : vector<16xf32> to vector<1x16xf32>
        tpu.vector_store %arg10[%swap3A_209, %swap3A_210], %swap3A_213 {strides = array<i32>} : memref<16x256xf32, #tpu.memory_space<vmem>>, vector<1x16xf32>,
        %mul3A_214 = arith.constant 3 : i32
        %mul3A_215 = arith.muli %mul3A_214, %scan3A_100 : i32
        %get3A_216 = arith.index_cast %mul3A_215 : i32 to index
        %get3A_217 = arith.constant 48 : index
        %get3A_218 = tpu.vector_load %arg8[%get3A_216, %get3A_217] {strides = array<i32>} : memref<48x256xf32, #tpu.memory_space<vmem>>, vector<1x16xf32>,
        %get3A_219 = vector.shape_cast %get3A_218 : vector<1x16xf32> to vector<16xf32>
        %mul3A_220 = vector.broadcast %squeeze3A : f32 to vector<16xf32>
        %mul3A_221 = arith.mulf %get3A_219, %mul3A_220 : vector<16xf32>
        %mul3A_222 = arith.constant 3 : i32
        %mul3A_223 = arith.muli %mul3A_222, %scan3A_100 : i32
        %add3A_224 = arith.constant 1 : i32
        %add3A_225 = arith.addi %mul3A_223, %add3A_224 : i32
        %get3A_226 = arith.index_cast %add3A_225 : i32 to index
        %get3A_227 = arith.constant 48 : index
        %get3A_228 = tpu.vector_load %arg8[%get3A_226, %get3A_227] {strides = array<i32>} : memref<48x256xf32, #tpu.memory_space<vmem>>, vector<1x16xf32>,
        %get3A_229 = vector.shape_cast %get3A_228 : vector<1x16xf32> to vector<16xf32>
        %mul3A_230 = vector.broadcast %squeeze3A_107 : f32 to vector<16xf32>
        %mul3A_231 = arith.mulf %get3A_229, %mul3A_230 : vector<16xf32>
        %add3A_232 = arith.addf %mul3A_221, %mul3A_231 : vector<16xf32>
        %mul3A_233 = arith.constant 3 : i32
        %mul3A_234 = arith.muli %mul3A_233, %scan3A_100 : i32
        %add3A_235 = arith.constant 2 : i32
        %add3A_236 = arith.addi %mul3A_234, %add3A_235 : i32
        %get3A_237 = arith.index_cast %add3A_236 : i32 to index
        %get3A_238 = arith.constant 48 : index
        %get3A_239 = tpu.vector_load %arg8[%get3A_237, %get3A_238] {strides = array<i32>} : memref<48x256xf32, #tpu.memory_space<vmem>>, vector<1x16xf32>,
        %get3A_240 = vector.shape_cast %get3A_239 : vector<1x16xf32> to vector<16xf32>
        %mul3A_241 = vector.broadcast %squeeze3A_109 : f32 to vector<16xf32>
        %mul3A_242 = arith.mulf %get3A_240, %mul3A_241 : vector<16xf32>
        %add3A_243 = arith.addf %add3A_232, %mul3A_242 : vector<16xf32>
        %swap3A_244 = arith.index_cast %scan3A_100 : i32 to index
        %swap3A_245 = arith.constant 48 : index
        %swap3A_246 = tpu.vector_load %arg10[%swap3A_244, %swap3A_245] {strides = array<i32>} : memref<16x256xf32, #tpu.memory_space<vmem>>, vector<1x16xf32>,
        %swap3A_247 = vector.shape_cast %swap3A_246 : vector<1x16xf32> to vector<16xf32>
        %swap3A_248 = vector.shape_cast %add3A_243 : vector<16xf32> to vector<1x16xf32>
        tpu.vector_store %arg10[%swap3A_244, %swap3A_245], %swap3A_248 {strides = array<i32>} : memref<16x256xf32, #tpu.memory_space<vmem>>, vector<1x16xf32>,
        %mul3A_249 = arith.constant 3 : i32
        %mul3A_250 = arith.muli %mul3A_249, %scan3A_100 : i32
        %get3A_251 = arith.index_cast %mul3A_250 : i32 to index
        %get3A_252 = arith.constant 64 : index
        %get3A_253 = tpu.vector_load %arg8[%get3A_251, %get3A_252] {strides = array<i32>} : memref<48x256xf32, #tpu.memory_space<vmem>>, vector<1x16xf32>,
        %get3A_254 = vector.shape_cast %get3A_253 : vector<1x16xf32> to vector<16xf32>
        %mul3A_255 = vector.broadcast %squeeze3A : f32 to vector<16xf32>
        %mul3A_256 = arith.mulf %get3A_254, %mul3A_255 : vector<16xf32>
        %mul3A_257 = arith.constant 3 : i32
        %mul3A_258 = arith.muli %mul3A_257, %scan3A_100 : i32
        %add3A_259 = arith.constant 1 : i32
        %add3A_260 = arith.addi %mul3A_258, %add3A_259 : i32
        %get3A_261 = arith.index_cast %add3A_260 : i32 to index
        %get3A_262 = arith.constant 64 : index
        %get3A_263 = tpu.vector_load %arg8[%get3A_261, %get3A_262] {strides = array<i32>} : memref<48x256xf32, #tpu.memory_space<vmem>>, vector<1x16xf32>,
        %get3A_264 = vector.shape_cast %get3A_263 : vector<1x16xf32> to vector<16xf32>
        %mul3A_265 = vector.broadcast %squeeze3A_107 : f32 to vector<16xf32>
        %mul3A_266 = arith.mulf %get3A_264, %mul3A_265 : vector<16xf32>
        %add3A_267 = arith.addf %mul3A_256, %mul3A_266 : vector<16xf32>
        %mul3A_268 = arith.constant 3 : i32
        %mul3A_269 = arith.muli %mul3A_268, %scan3A_100 : i32
        %add3A_270 = arith.constant 2 : i32
        %add3A_271 = arith.addi %mul3A_269, %add3A_270 : i32
        %get3A_272 = arith.index_cast %add3A_271 : i32 to index
        %get3A_273 = arith.constant 64 : index
        %get3A_274 = tpu.vector_load %arg8[%get3A_272, %get3A_273] {strides = array<i32>} : memref<48x256xf32, #tpu.memory_space<vmem>>, vector<1x16xf32>,
        %get3A_275 = vector.shape_cast %get3A_274 : vector<1x16xf32> to vector<16xf32>
        %mul3A_276 = vector.broadcast %squeeze3A_109 : f32 to vector<16xf32>
        %mul3A_277 = arith.mulf %get3A_275, %mul3A_276 : vector<16xf32>
        %add3A_278 = arith.addf %add3A_267, %mul3A_277 : vector<16xf32>
        %swap3A_279 = arith.index_cast %scan3A_100 : i32 to index
        %swap3A_280 = arith.constant 64 : index
        %swap3A_281 = tpu.vector_load %arg10[%swap3A_279, %swap3A_280] {strides = array<i32>} : memref<16x256xf32, #tpu.memory_space<vmem>>, vector<1x16xf32>,
        %swap3A_282 = vector.shape_cast %swap3A_281 : vector<1x16xf32> to vector<16xf32>
        %swap3A_283 = vector.shape_cast %add3A_278 : vector<16xf32> to vector<1x16xf32>
        tpu.vector_store %arg10[%swap3A_279, %swap3A_280], %swap3A_283 {strides = array<i32>} : memref<16x256xf32, #tpu.memory_space<vmem>>, vector<1x16xf32>,
        %mul3A_284 = arith.constant 3 : i32
        %mul3A_285 = arith.muli %mul3A_284, %scan3A_100 : i32
        %get3A_286 = arith.index_cast %mul3A_285 : i32 to index
        %get3A_287 = arith.constant 80 : index
        %get3A_288 = tpu.vector_load %arg8[%get3A_286, %get3A_287] {strides = array<i32>} : memref<48x256xf32, #tpu.memory_space<vmem>>, vector<1x16xf32>,
        %get3A_289 = vector.shape_cast %get3A_288 : vector<1x16xf32> to vector<16xf32>
        %mul3A_290 = vector.broadcast %squeeze3A : f32 to vector<16xf32>
        %mul3A_291 = arith.mulf %get3A_289, %mul3A_290 : vector<16xf32>
        %mul3A_292 = arith.constant 3 : i32
        %mul3A_293 = arith.muli %mul3A_292, %scan3A_100 : i32
        %add3A_294 = arith.constant 1 : i32
        %add3A_295 = arith.addi %mul3A_293, %add3A_294 : i32
        %get3A_296 = arith.index_cast %add3A_295 : i32 to index
        %get3A_297 = arith.constant 80 : index
        %get3A_298 = tpu.vector_load %arg8[%get3A_296, %get3A_297] {strides = array<i32>} : memref<48x256xf32, #tpu.memory_space<vmem>>, vector<1x16xf32>,
        %get3A_299 = vector.shape_cast %get3A_298 : vector<1x16xf32> to vector<16xf32>
        %mul3A_300 = vector.broadcast %squeeze3A_107 : f32 to vector<16xf32>
        %mul3A_301 = arith.mulf %get3A_299, %mul3A_300 : vector<16xf32>
        %add3A_302 = arith.addf %mul3A_291, %mul3A_301 : vector<16xf32>
        %mul3A_303 = arith.constant 3 : i32
        %mul3A_304 = arith.muli %mul3A_303, %scan3A_100 : i32
        %add3A_305 = arith.constant 2 : i32
        %add3A_306 = arith.addi %mul3A_304, %add3A_305 : i32
        %get3A_307 = arith.index_cast %add3A_306 : i32 to index
        %get3A_308 = arith.constant 80 : index
        %get3A_309 = tpu.vector_load %arg8[%get3A_307, %get3A_308] {strides = array<i32>} : memref<48x256xf32, #tpu.memory_space<vmem>>, vector<1x16xf32>,
        %get3A_310 = vector.shape_cast %get3A_309 : vector<1x16xf32> to vector<16xf32>
        %mul3A_311 = vector.broadcast %squeeze3A_109 : f32 to vector<16xf32>
        %mul3A_312 = arith.mulf %get3A_310, %mul3A_311 : vector<16xf32>
        %add3A_313 = arith.addf %add3A_302, %mul3A_312 : vector<16xf32>
        %swap3A_314 = arith.index_cast %scan3A_100 : i32 to index
        %swap3A_315 = arith.constant 80 : index
        %swap3A_316 = tpu.vector_load %arg10[%swap3A_314, %swap3A_315] {strides = array<i32>} : memref<16x256xf32, #tpu.memory_space<vmem>>, vector<1x16xf32>,
        %swap3A_317 = vector.shape_cast %swap3A_316 : vector<1x16xf32> to vector<16xf32>
        %swap3A_318 = vector.shape_cast %add3A_313 : vector<16xf32> to vector<1x16xf32>
        tpu.vector_store %arg10[%swap3A_314, %swap3A_315], %swap3A_318 {strides = array<i32>} : memref<16x256xf32, #tpu.memory_space<vmem>>, vector<1x16xf32>,
        %mul3A_319 = arith.constant 3 : i32
        %mul3A_320 = arith.muli %mul3A_319, %scan3A_100 : i32
        %get3A_321 = arith.index_cast %mul3A_320 : i32 to index
        %get3A_322 = arith.constant 96 : index
        %get3A_323 = tpu.vector_load %arg8[%get3A_321, %get3A_322] {strides = array<i32>} : memref<48x256xf32, #tpu.memory_space<vmem>>, vector<1x16xf32>,
        %get3A_324 = vector.shape_cast %get3A_323 : vector<1x16xf32> to vector<16xf32>
        %mul3A_325 = vector.broadcast %squeeze3A : f32 to vector<16xf32>
        %mul3A_326 = arith.mulf %get3A_324, %mul3A_325 : vector<16xf32>
        %mul3A_327 = arith.constant 3 : i32
        %mul3A_328 = arith.muli %mul3A_327, %scan3A_100 : i32
        %add3A_329 = arith.constant 1 : i32
        %add3A_330 = arith.addi %mul3A_328, %add3A_329 : i32
        %get3A_331 = arith.index_cast %add3A_330 : i32 to index
        %get3A_332 = arith.constant 96 : index
        %get3A_333 = tpu.vector_load %arg8[%get3A_331, %get3A_332] {strides = array<i32>} : memref<48x256xf32, #tpu.memory_space<vmem>>, vector<1x16xf32>,
        %get3A_334 = vector.shape_cast %get3A_333 : vector<1x16xf32> to vector<16xf32>
        %mul3A_335 = vector.broadcast %squeeze3A_107 : f32 to vector<16xf32>
        %mul3A_336 = arith.mulf %get3A_334, %mul3A_335 : vector<16xf32>
        %add3A_337 = arith.addf %mul3A_326, %mul3A_336 : vector<16xf32>
        %mul3A_338 = arith.constant 3 : i32
        %mul3A_339 = arith.muli %mul3A_338, %scan3A_100 : i32
        %add3A_340 = arith.constant 2 : i32
        %add3A_341 = arith.addi %mul3A_339, %add3A_340 : i32
        %get3A_342 = arith.index_cast %add3A_341 : i32 to index
        %get3A_343 = arith.constant 96 : index
        %get3A_344 = tpu.vector_load %arg8[%get3A_342, %get3A_343] {strides = array<i32>} : memref<48x256xf32, #tpu.memory_space<vmem>>, vector<1x16xf32>,
        %get3A_345 = vector.shape_cast %get3A_344 : vector<1x16xf32> to vector<16xf32>
        %mul3A_346 = vector.broadcast %squeeze3A_109 : f32 to vector<16xf32>
        %mul3A_347 = arith.mulf %get3A_345, %mul3A_346 : vector<16xf32>
        %add3A_348 = arith.addf %add3A_337, %mul3A_347 : vector<16xf32>
        %swap3A_349 = arith.index_cast %scan3A_100 : i32 to index
        %swap3A_350 = arith.constant 96 : index
        %swap3A_351 = tpu.vector_load %arg10[%swap3A_349, %swap3A_350] {strides = array<i32>} : memref<16x256xf32, #tpu.memory_space<vmem>>, vector<1x16xf32>,
        %swap3A_352 = vector.shape_cast %swap3A_351 : vector<1x16xf32> to vector<16xf32>
        %swap3A_353 = vector.shape_cast %add3A_348 : vector<16xf32> to vector<1x16xf32>
        tpu.vector_store %arg10[%swap3A_349, %swap3A_350], %swap3A_353 {strides = array<i32>} : memref<16x256xf32, #tpu.memory_space<vmem>>, vector<1x16xf32>,
        %mul3A_354 = arith.constant 3 : i32
        %mul3A_355 = arith.muli %mul3A_354, %scan3A_100 : i32
        %get3A_356 = arith.index_cast %mul3A_355 : i32 to index
        %get3A_357 = arith.constant 112 : index
        %get3A_358 = tpu.vector_load %arg8[%get3A_356, %get3A_357] {strides = array<i32>} : memref<48x256xf32, #tpu.memory_space<vmem>>, vector<1x16xf32>,
        %get3A_359 = vector.shape_cast %get3A_358 : vector<1x16xf32> to vector<16xf32>
        %mul3A_360 = vector.broadcast %squeeze3A : f32 to vector<16xf32>
        %mul3A_361 = arith.mulf %get3A_359, %mul3A_360 : vector<16xf32>
        %mul3A_362 = arith.constant 3 : i32
        %mul3A_363 = arith.muli %mul3A_362, %scan3A_100 : i32
        %add3A_364 = arith.constant 1 : i32
        %add3A_365 = arith.addi %mul3A_363, %add3A_364 : i32
        %get3A_366 = arith.index_cast %add3A_365 : i32 to index
        %get3A_367 = arith.constant 112 : index
        %get3A_368 = tpu.vector_load %arg8[%get3A_366, %get3A_367] {strides = array<i32>} : memref<48x256xf32, #tpu.memory_space<vmem>>, vector<1x16xf32>,
        %get3A_369 = vector.shape_cast %get3A_368 : vector<1x16xf32> to vector<16xf32>
        %mul3A_370 = vector.broadcast %squeeze3A_107 : f32 to vector<16xf32>
        %mul3A_371 = arith.mulf %get3A_369, %mul3A_370 : vector<16xf32>
        %add3A_372 = arith.addf %mul3A_361, %mul3A_371 : vector<16xf32>
        %mul3A_373 = arith.constant 3 : i32
        %mul3A_374 = arith.muli %mul3A_373, %scan3A_100 : i32
        %add3A_375 = arith.constant 2 : i32
        %add3A_376 = arith.addi %mul3A_374, %add3A_375 : i32
        %get3A_377 = arith.index_cast %add3A_376 : i32 to index
        %get3A_378 = arith.constant 112 : index
        %get3A_379 = tpu.vector_load %arg8[%get3A_377, %get3A_378] {strides = array<i32>} : memref<48x256xf32, #tpu.memory_space<vmem>>, vector<1x16xf32>,
        %get3A_380 = vector.shape_cast %get3A_379 : vector<1x16xf32> to vector<16xf32>
        %mul3A_381 = vector.broadcast %squeeze3A_109 : f32 to vector<16xf32>
        %mul3A_382 = arith.mulf %get3A_380, %mul3A_381 : vector<16xf32>
        %add3A_383 = arith.addf %add3A_372, %mul3A_382 : vector<16xf32>
        %swap3A_384 = arith.index_cast %scan3A_100 : i32 to index
        %swap3A_385 = arith.constant 112 : index
        %swap3A_386 = tpu.vector_load %arg10[%swap3A_384, %swap3A_385] {strides = array<i32>} : memref<16x256xf32, #tpu.memory_space<vmem>>, vector<1x16xf32>,
        %swap3A_387 = vector.shape_cast %swap3A_386 : vector<1x16xf32> to vector<16xf32>
        %swap3A_388 = vector.shape_cast %add3A_383 : vector<16xf32> to vector<1x16xf32>
        tpu.vector_store %arg10[%swap3A_384, %swap3A_385], %swap3A_388 {strides = array<i32>} : memref<16x256xf32, #tpu.memory_space<vmem>>, vector<1x16xf32>,
        %mul3A_389 = arith.constant 3 : i32
        %mul3A_390 = arith.muli %mul3A_389, %scan3A_100 : i32
        %get3A_391 = arith.index_cast %mul3A_390 : i32 to index
        %get3A_392 = arith.constant 128 : index
        %get3A_393 = tpu.vector_load %arg8[%get3A_391, %get3A_392] {strides = array<i32>} : memref<48x256xf32, #tpu.memory_space<vmem>>, vector<1x16xf32>,
        %get3A_394 = vector.shape_cast %get3A_393 : vector<1x16xf32> to vector<16xf32>
        %mul3A_395 = vector.broadcast %squeeze3A : f32 to vector<16xf32>
        %mul3A_396 = arith.mulf %get3A_394, %mul3A_395 : vector<16xf32>
        %mul3A_397 = arith.constant 3 : i32
        %mul3A_398 = arith.muli %mul3A_397, %scan3A_100 : i32
        %add3A_399 = arith.constant 1 : i32
        %add3A_400 = arith.addi %mul3A_398, %add3A_399 : i32
        %get3A_401 = arith.index_cast %add3A_400 : i32 to index
        %get3A_402 = arith.constant 128 : index
        %get3A_403 = tpu.vector_load %arg8[%get3A_401, %get3A_402] {strides = array<i32>} : memref<48x256xf32, #tpu.memory_space<vmem>>, vector<1x16xf32>,
        %get3A_404 = vector.shape_cast %get3A_403 : vector<1x16xf32> to vector<16xf32>
        %mul3A_405 = vector.broadcast %squeeze3A_107 : f32 to vector<16xf32>
        %mul3A_406 = arith.mulf %get3A_404, %mul3A_405 : vector<16xf32>
        %add3A_407 = arith.addf %mul3A_396, %mul3A_406 : vector<16xf32>
        %mul3A_408 = arith.constant 3 : i32
        %mul3A_409 = arith.muli %mul3A_408, %scan3A_100 : i32
        %add3A_410 = arith.constant 2 : i32
        %add3A_411 = arith.addi %mul3A_409, %add3A_410 : i32
        %get3A_412 = arith.index_cast %add3A_411 : i32 to index
        %get3A_413 = arith.constant 128 : index
        %get3A_414 = tpu.vector_load %arg8[%get3A_412, %get3A_413] {strides = array<i32>} : memref<48x256xf32, #tpu.memory_space<vmem>>, vector<1x16xf32>,
        %get3A_415 = vector.shape_cast %get3A_414 : vector<1x16xf32> to vector<16xf32>
        %mul3A_416 = vector.broadcast %squeeze3A_109 : f32 to vector<16xf32>
        %mul3A_417 = arith.mulf %get3A_415, %mul3A_416 : vector<16xf32>
        %add3A_418 = arith.addf %add3A_407, %mul3A_417 : vector<16xf32>
        %swap3A_419 = arith.index_cast %scan3A_100 : i32 to index
        %swap3A_420 = arith.constant 128 : index
        %swap3A_421 = tpu.vector_load %arg10[%swap3A_419, %swap3A_420] {strides = array<i32>} : memref<16x256xf32, #tpu.memory_space<vmem>>, vector<1x16xf32>,
        %swap3A_422 = vector.shape_cast %swap3A_421 : vector<1x16xf32> to vector<16xf32>
        %swap3A_423 = vector.shape_cast %add3A_418 : vector<16xf32> to vector<1x16xf32>
        tpu.vector_store %arg10[%swap3A_419, %swap3A_420], %swap3A_423 {strides = array<i32>} : memref<16x256xf32, #tpu.memory_space<vmem>>, vector<1x16xf32>,
        %mul3A_424 = arith.constant 3 : i32
        %mul3A_425 = arith.muli %mul3A_424, %scan3A_100 : i32
        %get3A_426 = arith.index_cast %mul3A_425 : i32 to index
        %get3A_427 = arith.constant 144 : index
        %get3A_428 = tpu.vector_load %arg8[%get3A_426, %get3A_427] {strides = array<i32>} : memref<48x256xf32, #tpu.memory_space<vmem>>, vector<1x16xf32>,
        %get3A_429 = vector.shape_cast %get3A_428 : vector<1x16xf32> to vector<16xf32>
        %mul3A_430 = vector.broadcast %squeeze3A : f32 to vector<16xf32>
        %mul3A_431 = arith.mulf %get3A_429, %mul3A_430 : vector<16xf32>
        %mul3A_432 = arith.constant 3 : i32
        %mul3A_433 = arith.muli %mul3A_432, %scan3A_100 : i32
        %add3A_434 = arith.constant 1 : i32
        %add3A_435 = arith.addi %mul3A_433, %add3A_434 : i32
        %get3A_436 = arith.index_cast %add3A_435 : i32 to index
        %get3A_437 = arith.constant 144 : index
        %get3A_438 = tpu.vector_load %arg8[%get3A_436, %get3A_437] {strides = array<i32>} : memref<48x256xf32, #tpu.memory_space<vmem>>, vector<1x16xf32>,
        %get3A_439 = vector.shape_cast %get3A_438 : vector<1x16xf32> to vector<16xf32>
        %mul3A_440 = vector.broadcast %squeeze3A_107 : f32 to vector<16xf32>
        %mul3A_441 = arith.mulf %get3A_439, %mul3A_440 : vector<16xf32>
        %add3A_442 = arith.addf %mul3A_431, %mul3A_441 : vector<16xf32>
        %mul3A_443 = arith.constant 3 : i32
        %mul3A_444 = arith.muli %mul3A_443, %scan3A_100 : i32
        %add3A_445 = arith.constant 2 : i32
        %add3A_446 = arith.addi %mul3A_444, %add3A_445 : i32
        %get3A_447 = arith.index_cast %add3A_446 : i32 to index
        %get3A_448 = arith.constant 144 : index
        %get3A_449 = tpu.vector_load %arg8[%get3A_447, %get3A_448] {strides = array<i32>} : memref<48x256xf32, #tpu.memory_space<vmem>>, vector<1x16xf32>,
        %get3A_450 = vector.shape_cast %get3A_449 : vector<1x16xf32> to vector<16xf32>
        %mul3A_451 = vector.broadcast %squeeze3A_109 : f32 to vector<16xf32>
        %mul3A_452 = arith.mulf %get3A_450, %mul3A_451 : vector<16xf32>
        %add3A_453 = arith.addf %add3A_442, %mul3A_452 : vector<16xf32>
        %swap3A_454 = arith.index_cast %scan3A_100 : i32 to index
        %swap3A_455 = arith.constant 144 : index
        %swap3A_456 = tpu.vector_load %arg10[%swap3A_454, %swap3A_455] {strides = array<i32>} : memref<16x256xf32, #tpu.memory_space<vmem>>, vector<1x16xf32>,
        %swap3A_457 = vector.shape_cast %swap3A_456 : vector<1x16xf32> to vector<16xf32>
        %swap3A_458 = vector.shape_cast %add3A_453 : vector<16xf32> to vector<1x16xf32>
        tpu.vector_store %arg10[%swap3A_454, %swap3A_455], %swap3A_458 {strides = array<i32>} : memref<16x256xf32, #tpu.memory_space<vmem>>, vector<1x16xf32>,
        %mul3A_459 = arith.constant 3 : i32
        %mul3A_460 = arith.muli %mul3A_459, %scan3A_100 : i32
        %get3A_461 = arith.index_cast %mul3A_460 : i32 to index
        %get3A_462 = arith.constant 160 : index
        %get3A_463 = tpu.vector_load %arg8[%get3A_461, %get3A_462] {strides = array<i32>} : memref<48x256xf32, #tpu.memory_space<vmem>>, vector<1x16xf32>,
        %get3A_464 = vector.shape_cast %get3A_463 : vector<1x16xf32> to vector<16xf32>
        %mul3A_465 = vector.broadcast %squeeze3A : f32 to vector<16xf32>
        %mul3A_466 = arith.mulf %get3A_464, %mul3A_465 : vector<16xf32>
        %mul3A_467 = arith.constant 3 : i32
        %mul3A_468 = arith.muli %mul3A_467, %scan3A_100 : i32
        %add3A_469 = arith.constant 1 : i32
        %add3A_470 = arith.addi %mul3A_468, %add3A_469 : i32
        %get3A_471 = arith.index_cast %add3A_470 : i32 to index
        %get3A_472 = arith.constant 160 : index
        %get3A_473 = tpu.vector_load %arg8[%get3A_471, %get3A_472] {strides = array<i32>} : memref<48x256xf32, #tpu.memory_space<vmem>>, vector<1x16xf32>,
        %get3A_474 = vector.shape_cast %get3A_473 : vector<1x16xf32> to vector<16xf32>
        %mul3A_475 = vector.broadcast %squeeze3A_107 : f32 to vector<16xf32>
        %mul3A_476 = arith.mulf %get3A_474, %mul3A_475 : vector<16xf32>
        %add3A_477 = arith.addf %mul3A_466, %mul3A_476 : vector<16xf32>
        %mul3A_478 = arith.constant 3 : i32
        %mul3A_479 = arith.muli %mul3A_478, %scan3A_100 : i32
        %add3A_480 = arith.constant 2 : i32
        %add3A_481 = arith.addi %mul3A_479, %add3A_480 : i32
        %get3A_482 = arith.index_cast %add3A_481 : i32 to index
        %get3A_483 = arith.constant 160 : index
        %get3A_484 = tpu.vector_load %arg8[%get3A_482, %get3A_483] {strides = array<i32>} : memref<48x256xf32, #tpu.memory_space<vmem>>, vector<1x16xf32>,
        %get3A_485 = vector.shape_cast %get3A_484 : vector<1x16xf32> to vector<16xf32>
        %mul3A_486 = vector.broadcast %squeeze3A_109 : f32 to vector<16xf32>
        %mul3A_487 = arith.mulf %get3A_485, %mul3A_486 : vector<16xf32>
        %add3A_488 = arith.addf %add3A_477, %mul3A_487 : vector<16xf32>
        %swap3A_489 = arith.index_cast %scan3A_100 : i32 to index
        %swap3A_490 = arith.constant 160 : index
        %swap3A_491 = tpu.vector_load %arg10[%swap3A_489, %swap3A_490] {strides = array<i32>} : memref<16x256xf32, #tpu.memory_space<vmem>>, vector<1x16xf32>,
        %swap3A_492 = vector.shape_cast %swap3A_491 : vector<1x16xf32> to vector<16xf32>
        %swap3A_493 = vector.shape_cast %add3A_488 : vector<16xf32> to vector<1x16xf32>
        tpu.vector_store %arg10[%swap3A_489, %swap3A_490], %swap3A_493 {strides = array<i32>} : memref<16x256xf32, #tpu.memory_space<vmem>>, vector<1x16xf32>,
        %mul3A_494 = arith.constant 3 : i32
        %mul3A_495 = arith.muli %mul3A_494, %scan3A_100 : i32
        %get3A_496 = arith.index_cast %mul3A_495 : i32 to index
        %get3A_497 = arith.constant 176 : index
        %get3A_498 = tpu.vector_load %arg8[%get3A_496, %get3A_497] {strides = array<i32>} : memref<48x256xf32, #tpu.memory_space<vmem>>, vector<1x16xf32>,
        %get3A_499 = vector.shape_cast %get3A_498 : vector<1x16xf32> to vector<16xf32>
        %mul3A_500 = vector.broadcast %squeeze3A : f32 to vector<16xf32>
        %mul3A_501 = arith.mulf %get3A_499, %mul3A_500 : vector<16xf32>
        %mul3A_502 = arith.constant 3 : i32
        %mul3A_503 = arith.muli %mul3A_502, %scan3A_100 : i32
        %add3A_504 = arith.constant 1 : i32
        %add3A_505 = arith.addi %mul3A_503, %add3A_504 : i32
        %get3A_506 = arith.index_cast %add3A_505 : i32 to index
        %get3A_507 = arith.constant 176 : index
        %get3A_508 = tpu.vector_load %arg8[%get3A_506, %get3A_507] {strides = array<i32>} : memref<48x256xf32, #tpu.memory_space<vmem>>, vector<1x16xf32>,
        %get3A_509 = vector.shape_cast %get3A_508 : vector<1x16xf32> to vector<16xf32>
        %mul3A_510 = vector.broadcast %squeeze3A_107 : f32 to vector<16xf32>
        %mul3A_511 = arith.mulf %get3A_509, %mul3A_510 : vector<16xf32>
        %add3A_512 = arith.addf %mul3A_501, %mul3A_511 : vector<16xf32>
        %mul3A_513 = arith.constant 3 : i32
        %mul3A_514 = arith.muli %mul3A_513, %scan3A_100 : i32
        %add3A_515 = arith.constant 2 : i32
        %add3A_516 = arith.addi %mul3A_514, %add3A_515 : i32
        %get3A_517 = arith.index_cast %add3A_516 : i32 to index
        %get3A_518 = arith.constant 176 : index
        %get3A_519 = tpu.vector_load %arg8[%get3A_517, %get3A_518] {strides = array<i32>} : memref<48x256xf32, #tpu.memory_space<vmem>>, vector<1x16xf32>,
        %get3A_520 = vector.shape_cast %get3A_519 : vector<1x16xf32> to vector<16xf32>
        %mul3A_521 = vector.broadcast %squeeze3A_109 : f32 to vector<16xf32>
        %mul3A_522 = arith.mulf %get3A_520, %mul3A_521 : vector<16xf32>
        %add3A_523 = arith.addf %add3A_512, %mul3A_522 : vector<16xf32>
        %swap3A_524 = arith.index_cast %scan3A_100 : i32 to index
        %swap3A_525 = arith.constant 176 : index
        %swap3A_526 = tpu.vector_load %arg10[%swap3A_524, %swap3A_525] {strides = array<i32>} : memref<16x256xf32, #tpu.memory_space<vmem>>, vector<1x16xf32>,
        %swap3A_527 = vector.shape_cast %swap3A_526 : vector<1x16xf32> to vector<16xf32>
        %swap3A_528 = vector.shape_cast %add3A_523 : vector<16xf32> to vector<1x16xf32>
        tpu.vector_store %arg10[%swap3A_524, %swap3A_525], %swap3A_528 {strides = array<i32>} : memref<16x256xf32, #tpu.memory_space<vmem>>, vector<1x16xf32>,
        %mul3A_529 = arith.constant 3 : i32
        %mul3A_530 = arith.muli %mul3A_529, %scan3A_100 : i32
        %get3A_531 = arith.index_cast %mul3A_530 : i32 to index
        %get3A_532 = arith.constant 192 : index
        %get3A_533 = tpu.vector_load %arg8[%get3A_531, %get3A_532] {strides = array<i32>} : memref<48x256xf32, #tpu.memory_space<vmem>>, vector<1x16xf32>,
        %get3A_534 = vector.shape_cast %get3A_533 : vector<1x16xf32> to vector<16xf32>
        %mul3A_535 = vector.broadcast %squeeze3A : f32 to vector<16xf32>
        %mul3A_536 = arith.mulf %get3A_534, %mul3A_535 : vector<16xf32>
        %mul3A_537 = arith.constant 3 : i32
        %mul3A_538 = arith.muli %mul3A_537, %scan3A_100 : i32
        %add3A_539 = arith.constant 1 : i32
        %add3A_540 = arith.addi %mul3A_538, %add3A_539 : i32
        %get3A_541 = arith.index_cast %add3A_540 : i32 to index
        %get3A_542 = arith.constant 192 : index
        %get3A_543 = tpu.vector_load %arg8[%get3A_541, %get3A_542] {strides = array<i32>} : memref<48x256xf32, #tpu.memory_space<vmem>>, vector<1x16xf32>,
        %get3A_544 = vector.shape_cast %get3A_543 : vector<1x16xf32> to vector<16xf32>
        %mul3A_545 = vector.broadcast %squeeze3A_107 : f32 to vector<16xf32>
        %mul3A_546 = arith.mulf %get3A_544, %mul3A_545 : vector<16xf32>
        %add3A_547 = arith.addf %mul3A_536, %mul3A_546 : vector<16xf32>
        %mul3A_548 = arith.constant 3 : i32
        %mul3A_549 = arith.muli %mul3A_548, %scan3A_100 : i32
        %add3A_550 = arith.constant 2 : i32
        %add3A_551 = arith.addi %mul3A_549, %add3A_550 : i32
        %get3A_552 = arith.index_cast %add3A_551 : i32 to index
        %get3A_553 = arith.constant 192 : index
        %get3A_554 = tpu.vector_load %arg8[%get3A_552, %get3A_553] {strides = array<i32>} : memref<48x256xf32, #tpu.memory_space<vmem>>, vector<1x16xf32>,
        %get3A_555 = vector.shape_cast %get3A_554 : vector<1x16xf32> to vector<16xf32>
        %mul3A_556 = vector.broadcast %squeeze3A_109 : f32 to vector<16xf32>
        %mul3A_557 = arith.mulf %get3A_555, %mul3A_556 : vector<16xf32>
        %add3A_558 = arith.addf %add3A_547, %mul3A_557 : vector<16xf32>
        %swap3A_559 = arith.index_cast %scan3A_100 : i32 to index
        %swap3A_560 = arith.constant 192 : index
        %swap3A_561 = tpu.vector_load %arg10[%swap3A_559, %swap3A_560] {strides = array<i32>} : memref<16x256xf32, #tpu.memory_space<vmem>>, vector<1x16xf32>,
        %swap3A_562 = vector.shape_cast %swap3A_561 : vector<1x16xf32> to vector<16xf32>
        %swap3A_563 = vector.shape_cast %add3A_558 : vector<16xf32> to vector<1x16xf32>
        tpu.vector_store %arg10[%swap3A_559, %swap3A_560], %swap3A_563 {strides = array<i32>} : memref<16x256xf32, #tpu.memory_space<vmem>>, vector<1x16xf32>,
        %mul3A_564 = arith.constant 3 : i32
        %mul3A_565 = arith.muli %mul3A_564, %scan3A_100 : i32
        %get3A_566 = arith.index_cast %mul3A_565 : i32 to index
        %get3A_567 = arith.constant 208 : index
        %get3A_568 = tpu.vector_load %arg8[%get3A_566, %get3A_567] {strides = array<i32>} : memref<48x256xf32, #tpu.memory_space<vmem>>, vector<1x16xf32>,
        %get3A_569 = vector.shape_cast %get3A_568 : vector<1x16xf32> to vector<16xf32>
        %mul3A_570 = vector.broadcast %squeeze3A : f32 to vector<16xf32>
        %mul3A_571 = arith.mulf %get3A_569, %mul3A_570 : vector<16xf32>
        %mul3A_572 = arith.constant 3 : i32
        %mul3A_573 = arith.muli %mul3A_572, %scan3A_100 : i32
        %add3A_574 = arith.constant 1 : i32
        %add3A_575 = arith.addi %mul3A_573, %add3A_574 : i32
        %get3A_576 = arith.index_cast %add3A_575 : i32 to index
        %get3A_577 = arith.constant 208 : index
        %get3A_578 = tpu.vector_load %arg8[%get3A_576, %get3A_577] {strides = array<i32>} : memref<48x256xf32, #tpu.memory_space<vmem>>, vector<1x16xf32>,
        %get3A_579 = vector.shape_cast %get3A_578 : vector<1x16xf32> to vector<16xf32>
        %mul3A_580 = vector.broadcast %squeeze3A_107 : f32 to vector<16xf32>
        %mul3A_581 = arith.mulf %get3A_579, %mul3A_580 : vector<16xf32>
        %add3A_582 = arith.addf %mul3A_571, %mul3A_581 : vector<16xf32>
        %mul3A_583 = arith.constant 3 : i32
        %mul3A_584 = arith.muli %mul3A_583, %scan3A_100 : i32
        %add3A_585 = arith.constant 2 : i32
        %add3A_586 = arith.addi %mul3A_584, %add3A_585 : i32
        %get3A_587 = arith.index_cast %add3A_586 : i32 to index
        %get3A_588 = arith.constant 208 : index
        %get3A_589 = tpu.vector_load %arg8[%get3A_587, %get3A_588] {strides = array<i32>} : memref<48x256xf32, #tpu.memory_space<vmem>>, vector<1x16xf32>,
        %get3A_590 = vector.shape_cast %get3A_589 : vector<1x16xf32> to vector<16xf32>
        %mul3A_591 = vector.broadcast %squeeze3A_109 : f32 to vector<16xf32>
        %mul3A_592 = arith.mulf %get3A_590, %mul3A_591 : vector<16xf32>
        %add3A_593 = arith.addf %add3A_582, %mul3A_592 : vector<16xf32>
        %swap3A_594 = arith.index_cast %scan3A_100 : i32 to index
        %swap3A_595 = arith.constant 208 : index
        %swap3A_596 = tpu.vector_load %arg10[%swap3A_594, %swap3A_595] {strides = array<i32>} : memref<16x256xf32, #tpu.memory_space<vmem>>, vector<1x16xf32>,
        %swap3A_597 = vector.shape_cast %swap3A_596 : vector<1x16xf32> to vector<16xf32>
        %swap3A_598 = vector.shape_cast %add3A_593 : vector<16xf32> to vector<1x16xf32>
        tpu.vector_store %arg10[%swap3A_594, %swap3A_595], %swap3A_598 {strides = array<i32>} : memref<16x256xf32, #tpu.memory_space<vmem>>, vector<1x16xf32>,
        %mul3A_599 = arith.constant 3 : i32
        %mul3A_600 = arith.muli %mul3A_599, %scan3A_100 : i32
        %get3A_601 = arith.index_cast %mul3A_600 : i32 to index
        %get3A_602 = arith.constant 224 : index
        %get3A_603 = tpu.vector_load %arg8[%get3A_601, %get3A_602] {strides = array<i32>} : memref<48x256xf32, #tpu.memory_space<vmem>>, vector<1x16xf32>,
        %get3A_604 = vector.shape_cast %get3A_603 : vector<1x16xf32> to vector<16xf32>
        %mul3A_605 = vector.broadcast %squeeze3A : f32 to vector<16xf32>
        %mul3A_606 = arith.mulf %get3A_604, %mul3A_605 : vector<16xf32>
        %mul3A_607 = arith.constant 3 : i32
        %mul3A_608 = arith.muli %mul3A_607, %scan3A_100 : i32
        %add3A_609 = arith.constant 1 : i32
        %add3A_610 = arith.addi %mul3A_608, %add3A_609 : i32
        %get3A_611 = arith.index_cast %add3A_610 : i32 to index
        %get3A_612 = arith.constant 224 : index
        %get3A_613 = tpu.vector_load %arg8[%get3A_611, %get3A_612] {strides = array<i32>} : memref<48x256xf32, #tpu.memory_space<vmem>>, vector<1x16xf32>,
        %get3A_614 = vector.shape_cast %get3A_613 : vector<1x16xf32> to vector<16xf32>
        %mul3A_615 = vector.broadcast %squeeze3A_107 : f32 to vector<16xf32>
        %mul3A_616 = arith.mulf %get3A_614, %mul3A_615 : vector<16xf32>
        %add3A_617 = arith.addf %mul3A_606, %mul3A_616 : vector<16xf32>
        %mul3A_618 = arith.constant 3 : i32
        %mul3A_619 = arith.muli %mul3A_618, %scan3A_100 : i32
        %add3A_620 = arith.constant 2 : i32
        %add3A_621 = arith.addi %mul3A_619, %add3A_620 : i32
        %get3A_622 = arith.index_cast %add3A_621 : i32 to index
        %get3A_623 = arith.constant 224 : index
        %get3A_624 = tpu.vector_load %arg8[%get3A_622, %get3A_623] {strides = array<i32>} : memref<48x256xf32, #tpu.memory_space<vmem>>, vector<1x16xf32>,
        %get3A_625 = vector.shape_cast %get3A_624 : vector<1x16xf32> to vector<16xf32>
        %mul3A_626 = vector.broadcast %squeeze3A_109 : f32 to vector<16xf32>
        %mul3A_627 = arith.mulf %get3A_625, %mul3A_626 : vector<16xf32>
        %add3A_628 = arith.addf %add3A_617, %mul3A_627 : vector<16xf32>
        %swap3A_629 = arith.index_cast %scan3A_100 : i32 to index
        %swap3A_630 = arith.constant 224 : index
        %swap3A_631 = tpu.vector_load %arg10[%swap3A_629, %swap3A_630] {strides = array<i32>} : memref<16x256xf32, #tpu.memory_space<vmem>>, vector<1x16xf32>,
        %swap3A_632 = vector.shape_cast %swap3A_631 : vector<1x16xf32> to vector<16xf32>
        %swap3A_633 = vector.shape_cast %add3A_628 : vector<16xf32> to vector<1x16xf32>
        tpu.vector_store %arg10[%swap3A_629, %swap3A_630], %swap3A_633 {strides = array<i32>} : memref<16x256xf32, #tpu.memory_space<vmem>>, vector<1x16xf32>,
        %mul3A_634 = arith.constant 3 : i32
        %mul3A_635 = arith.muli %mul3A_634, %scan3A_100 : i32
        %get3A_636 = arith.index_cast %mul3A_635 : i32 to index
        %get3A_637 = arith.constant 240 : index
        %get3A_638 = tpu.vector_load %arg8[%get3A_636, %get3A_637] {strides = array<i32>} : memref<48x256xf32, #tpu.memory_space<vmem>>, vector<1x16xf32>,
        %get3A_639 = vector.shape_cast %get3A_638 : vector<1x16xf32> to vector<16xf32>
        %mul3A_640 = vector.broadcast %squeeze3A : f32 to vector<16xf32>
        %mul3A_641 = arith.mulf %get3A_639, %mul3A_640 : vector<16xf32>
        %mul3A_642 = arith.constant 3 : i32
        %mul3A_643 = arith.muli %mul3A_642, %scan3A_100 : i32
        %add3A_644 = arith.constant 1 : i32
        %add3A_645 = arith.addi %mul3A_643, %add3A_644 : i32
        %get3A_646 = arith.index_cast %add3A_645 : i32 to index
        %get3A_647 = arith.constant 240 : index
        %get3A_648 = tpu.vector_load %arg8[%get3A_646, %get3A_647] {strides = array<i32>} : memref<48x256xf32, #tpu.memory_space<vmem>>, vector<1x16xf32>,
        %get3A_649 = vector.shape_cast %get3A_648 : vector<1x16xf32> to vector<16xf32>
        %mul3A_650 = vector.broadcast %squeeze3A_107 : f32 to vector<16xf32>
        %mul3A_651 = arith.mulf %get3A_649, %mul3A_650 : vector<16xf32>
        %add3A_652 = arith.addf %mul3A_641, %mul3A_651 : vector<16xf32>
        %mul3A_653 = arith.constant 3 : i32
        %mul3A_654 = arith.muli %mul3A_653, %scan3A_100 : i32
        %add3A_655 = arith.constant 2 : i32
        %add3A_656 = arith.addi %mul3A_654, %add3A_655 : i32
        %get3A_657 = arith.index_cast %add3A_656 : i32 to index
        %get3A_658 = arith.constant 240 : index
        %get3A_659 = tpu.vector_load %arg8[%get3A_657, %get3A_658] {strides = array<i32>} : memref<48x256xf32, #tpu.memory_space<vmem>>, vector<1x16xf32>,
        %get3A_660 = vector.shape_cast %get3A_659 : vector<1x16xf32> to vector<16xf32>
        %mul3A_661 = vector.broadcast %squeeze3A_109 : f32 to vector<16xf32>
        %mul3A_662 = arith.mulf %get3A_660, %mul3A_661 : vector<16xf32>
        %add3A_663 = arith.addf %add3A_652, %mul3A_662 : vector<16xf32>
        %swap3A_664 = arith.index_cast %scan3A_100 : i32 to index
        %swap3A_665 = arith.constant 240 : index
        %swap3A_666 = tpu.vector_load %arg10[%swap3A_664, %swap3A_665] {strides = array<i32>} : memref<16x256xf32, #tpu.memory_space<vmem>>, vector<1x16xf32>,
        %swap3A_667 = vector.shape_cast %swap3A_666 : vector<1x16xf32> to vector<16xf32>
        %swap3A_668 = vector.shape_cast %add3A_663 : vector<16xf32> to vector<1x16xf32>
        tpu.vector_store %arg10[%swap3A_664, %swap3A_665], %swap3A_668 {strides = array<i32>} : memref<16x256xf32, #tpu.memory_space<vmem>>, vector<1x16xf32>,
        %scan3A_669 = arith.constant 0 : i32
        scf.yield %scan3A_669 : i32
      }
      %scan3A_47 = arith.constant 16 : i32
      %mul3A_48 = arith.constant 16 : i32
      %mul3A_49 = arith.muli %mul3A_30, %mul3A_48 : i32
      %add3A_50 = arith.addi %mul3A_2, %mul3A_49 : i32
      %dma_start3A_51 = arith.constant 0 : i32
      %dma_start3A_52 = tpu.memref_slice %arg5[%add3A_50, %dma_start3A_51] : memref<16384x256xf32, #tpu.memory_space<hbm>> -> memref<16x256xf32, #tpu.memory_space<hbm>>
      %dma_start3A_53 = arith.constant 0 : i32
      %dma_start3A_54 = tpu.memref_slice %arg5[%add3A_50, %dma_start3A_53] : memref<16384x256xf32, #tpu.memory_space<hbm>> -> memref<16x256xf32, #tpu.memory_space<hbm>>
      tpu.enqueue_dma source(%arg10 : memref<16x256xf32, #tpu.memory_space<vmem>>) target(%dma_start3A_54 : memref<16x256xf32, #tpu.memory_space<hbm>>) target_semaphore(%arg14 : memref<!tpu.dma_semaphore, #tpu.memory_space<semaphore_mem>>)
      %add3A_55 = arith.constant 2 : i32
      %add3A_56 = arith.addi %mul3A_30, %add3A_55 : i32
      %le3A = arith.constant 31 : i32
      %le3A_57 = arith.cmpi sle, %add3A_56, %le3A : i32
      %convert_element_type3A_58 = arith.extui %le3A_57 : i1 to i32
      %cond3A_59 = arith.constant 0 : i32
      %cond3A_60 = arith.cmpi ne, %convert_element_type3A_58, %cond3A_59 : i32
      scf.if %cond3A_60 {
        %add3A_100 = arith.constant 2 : i32
        %add3A_101 = arith.addi %mul3A_30, %add3A_100 : i32
        %mul3A_102 = arith.constant 48 : i32
        %mul3A_103 = arith.muli %add3A_101, %mul3A_102 : i32
        %dma_start3A_104 = tpu.memref_slice %arg6[%mul3A_103] : memref<1536xi32, #tpu.memory_space<vmem>> -> memref<48xi32, #tpu.memory_space<vmem>>
        %dma_start3A_105 = arith.constant 0 : i32
        %dma_start3A_106 = arith.constant 0 : i32
        %dma_start3A_107 = tpu.memref_slice %arg4[%dma_start3A_105, %dma_start3A_106] : memref<4096x256xf32, #tpu.memory_space<hbm>> -> memref<4096x256xf32, #tpu.memory_space<hbm>>
        tpu.enqueue_indirect_dma source(%dma_start3A_107 : memref<4096x256xf32, #tpu.memory_space<hbm>>) target(%arg8 : memref<48x256xf32, #tpu.memory_space<vmem>>) offsets(%dma_start3A_104 : memref<48xi32, #tpu.memory_space<vmem>>) semaphore(%arg12 : memref<!tpu.dma_semaphore, #tpu.memory_space<semaphore_mem>>)
      } else {
      }
      %mul3A_61 = arith.constant 2 : i32
      %mul3A_62 = arith.muli %mul3A_61, %scan3A_27 : i32
      %add3A_63 = arith.constant 1 : i32
      %add3A_64 = arith.addi %mul3A_62, %add3A_63 : i32
      %mul3A_65 = arith.constant 48 : i32
      %mul3A_66 = arith.muli %add3A_64, %mul3A_65 : i32
      %dma_wait3A_67 = tpu.memref_slice %arg6[%mul3A_66] : memref<1536xi32, #tpu.memory_space<vmem>> -> memref<48xi32, #tpu.memory_space<vmem>>
      %dma_wait3A_68 = arith.constant 0 : i32
      %dma_wait3A_69 = arith.constant 0 : i32
      %dma_wait3A_70 = tpu.memref_slice %arg4[%dma_wait3A_68, %dma_wait3A_69] : memref<4096x256xf32, #tpu.memory_space<hbm>> -> memref<4096x256xf32, #tpu.memory_space<hbm>>
      tpu.wait_indirect_dma semaphore(%arg13 : memref<!tpu.dma_semaphore, #tpu.memory_space<semaphore_mem>>) src(%dma_wait3A_70 : memref<4096x256xf32, #tpu.memory_space<hbm>>) dst(%arg9 : memref<48x256xf32, #tpu.memory_space<vmem>>)
      %gt3A_71 = arith.constant 0 : i32
      %gt3A_72 = arith.cmpi sgt, %scan3A_27, %gt3A_71 : i32
      %convert_element_type3A_73 = arith.extui %gt3A_72 : i1 to i32
      %cond3A_74 = arith.constant 0 : i32
      %cond3A_75 = arith.cmpi ne, %convert_element_type3A_73, %cond3A_74 : i32
      scf.if %cond3A_75 {
        %dma_wait3A_100 = arith.constant 0 : i32
        %dma_wait3A_101 = tpu.memref_slice %arg5[%mul3A_2, %dma_wait3A_100] : memref<16384x256xf32, #tpu.memory_space<hbm>> -> memref<16x256xf32, #tpu.memory_space<hbm>>
        %dma_wait3A_102 = arith.constant 0 : i32
        %dma_wait3A_103 = tpu.memref_slice %arg5[%mul3A_2, %dma_wait3A_102] : memref<16384x256xf32, #tpu.memory_space<hbm>> -> memref<16x256xf32, #tpu.memory_space<hbm>>
        tpu.wait_dma2 semaphore(%arg15 : memref<!tpu.dma_semaphore, #tpu.memory_space<semaphore_mem>>) src(%arg11 : memref<16x256xf32, #tpu.memory_space<vmem>>) dst(%dma_wait3A_103 : memref<16x256xf32, #tpu.memory_space<hbm>>)
      } else {
      }
      %mul3A_76 = arith.constant 16 : i32
      %mul3A_77 = arith.muli %add3A_64, %mul3A_76 : i32
      %scan3A_78 = arith.constant 0 : i32
      %scan3A_79 = arith.constant 0 : i32
      %scan3A_80 = arith.constant 16 : i32
      %scan3A_81 = arith.addi %scan3A_79, %scan3A_80 : i32
      %scan3A_82 = arith.constant 1 : i32
      %scan3A_83 = scf.for %scan3A_100 = %scan3A_79 to %scan3A_81 step %scan3A_82 iter_args(%scan3A_101 = %scan3A_78) -> (i32)  : i32 {
        %add3A_102 = arith.addi %mul3A_77, %scan3A_100 : i32
        %get3A = arith.index_cast %add3A_102 : i32 to index
        %get3A_103 = arith.constant 0 : index
        %get3A_104 = tpu.vector_load %arg7[%get3A, %get3A_103] {strides = array<i32>} : memref<512x16xf32, #tpu.memory_space<vmem>>, vector<1x16xf32>,
        %get3A_105 = vector.shape_cast %get3A_104 : vector<1x16xf32> to vector<16xf32>
        %slice3A = vector.extract_strided_slice %get3A_105 {offsets = [0], sizes = [1], strides = [1]} : vector<16xf32> to vector<1xf32>
        %squeeze3A = vector.extract %slice3A[0] : f32 from vector<1xf32>
        %slice3A_106 = vector.extract_strided_slice %get3A_105 {offsets = [1], sizes = [1], strides = [1]} : vector<16xf32> to vector<1xf32>
        %squeeze3A_107 = vector.extract %slice3A_106[0] : f32 from vector<1xf32>
        %slice3A_108 = vector.extract_strided_slice %get3A_105 {offsets = [2], sizes = [1], strides = [1]} : vector<16xf32> to vector<1xf32>
        %squeeze3A_109 = vector.extract %slice3A_108[0] : f32 from vector<1xf32>
        %mul3A_110 = arith.constant 3 : i32
        %mul3A_111 = arith.muli %mul3A_110, %scan3A_100 : i32
        %get3A_112 = arith.index_cast %mul3A_111 : i32 to index
        %get3A_113 = arith.constant 0 : index
        %get3A_114 = tpu.vector_load %arg9[%get3A_112, %get3A_113] {strides = array<i32>} : memref<48x256xf32, #tpu.memory_space<vmem>>, vector<1x16xf32>,
        %get3A_115 = vector.shape_cast %get3A_114 : vector<1x16xf32> to vector<16xf32>
        %mul3A_116 = vector.broadcast %squeeze3A : f32 to vector<16xf32>
        %mul3A_117 = arith.mulf %get3A_115, %mul3A_116 : vector<16xf32>
        %mul3A_118 = arith.constant 3 : i32
        %mul3A_119 = arith.muli %mul3A_118, %scan3A_100 : i32
        %add3A_120 = arith.constant 1 : i32
        %add3A_121 = arith.addi %mul3A_119, %add3A_120 : i32
        %get3A_122 = arith.index_cast %add3A_121 : i32 to index
        %get3A_123 = arith.constant 0 : index
        %get3A_124 = tpu.vector_load %arg9[%get3A_122, %get3A_123] {strides = array<i32>} : memref<48x256xf32, #tpu.memory_space<vmem>>, vector<1x16xf32>,
        %get3A_125 = vector.shape_cast %get3A_124 : vector<1x16xf32> to vector<16xf32>
        %mul3A_126 = vector.broadcast %squeeze3A_107 : f32 to vector<16xf32>
        %mul3A_127 = arith.mulf %get3A_125, %mul3A_126 : vector<16xf32>
        %add3A_128 = arith.addf %mul3A_117, %mul3A_127 : vector<16xf32>
        %mul3A_129 = arith.constant 3 : i32
        %mul3A_130 = arith.muli %mul3A_129, %scan3A_100 : i32
        %add3A_131 = arith.constant 2 : i32
        %add3A_132 = arith.addi %mul3A_130, %add3A_131 : i32
        %get3A_133 = arith.index_cast %add3A_132 : i32 to index
        %get3A_134 = arith.constant 0 : index
        %get3A_135 = tpu.vector_load %arg9[%get3A_133, %get3A_134] {strides = array<i32>} : memref<48x256xf32, #tpu.memory_space<vmem>>, vector<1x16xf32>,
        %get3A_136 = vector.shape_cast %get3A_135 : vector<1x16xf32> to vector<16xf32>
        %mul3A_137 = vector.broadcast %squeeze3A_109 : f32 to vector<16xf32>
        %mul3A_138 = arith.mulf %get3A_136, %mul3A_137 : vector<16xf32>
        %add3A_139 = arith.addf %add3A_128, %mul3A_138 : vector<16xf32>
        %swap3A = arith.index_cast %scan3A_100 : i32 to index
        %swap3A_140 = arith.constant 0 : index
        %swap3A_141 = tpu.vector_load %arg11[%swap3A, %swap3A_140] {strides = array<i32>} : memref<16x256xf32, #tpu.memory_space<vmem>>, vector<1x16xf32>,
        %swap3A_142 = vector.shape_cast %swap3A_141 : vector<1x16xf32> to vector<16xf32>
        %swap3A_143 = vector.shape_cast %add3A_139 : vector<16xf32> to vector<1x16xf32>
        tpu.vector_store %arg11[%swap3A, %swap3A_140], %swap3A_143 {strides = array<i32>} : memref<16x256xf32, #tpu.memory_space<vmem>>, vector<1x16xf32>,
        %mul3A_144 = arith.constant 3 : i32
        %mul3A_145 = arith.muli %mul3A_144, %scan3A_100 : i32
        %get3A_146 = arith.index_cast %mul3A_145 : i32 to index
        %get3A_147 = arith.constant 16 : index
        %get3A_148 = tpu.vector_load %arg9[%get3A_146, %get3A_147] {strides = array<i32>} : memref<48x256xf32, #tpu.memory_space<vmem>>, vector<1x16xf32>,
        %get3A_149 = vector.shape_cast %get3A_148 : vector<1x16xf32> to vector<16xf32>
        %mul3A_150 = vector.broadcast %squeeze3A : f32 to vector<16xf32>
        %mul3A_151 = arith.mulf %get3A_149, %mul3A_150 : vector<16xf32>
        %mul3A_152 = arith.constant 3 : i32
        %mul3A_153 = arith.muli %mul3A_152, %scan3A_100 : i32
        %add3A_154 = arith.constant 1 : i32
        %add3A_155 = arith.addi %mul3A_153, %add3A_154 : i32
        %get3A_156 = arith.index_cast %add3A_155 : i32 to index
        %get3A_157 = arith.constant 16 : index
        %get3A_158 = tpu.vector_load %arg9[%get3A_156, %get3A_157] {strides = array<i32>} : memref<48x256xf32, #tpu.memory_space<vmem>>, vector<1x16xf32>,
        %get3A_159 = vector.shape_cast %get3A_158 : vector<1x16xf32> to vector<16xf32>
        %mul3A_160 = vector.broadcast %squeeze3A_107 : f32 to vector<16xf32>
        %mul3A_161 = arith.mulf %get3A_159, %mul3A_160 : vector<16xf32>
        %add3A_162 = arith.addf %mul3A_151, %mul3A_161 : vector<16xf32>
        %mul3A_163 = arith.constant 3 : i32
        %mul3A_164 = arith.muli %mul3A_163, %scan3A_100 : i32
        %add3A_165 = arith.constant 2 : i32
        %add3A_166 = arith.addi %mul3A_164, %add3A_165 : i32
        %get3A_167 = arith.index_cast %add3A_166 : i32 to index
        %get3A_168 = arith.constant 16 : index
        %get3A_169 = tpu.vector_load %arg9[%get3A_167, %get3A_168] {strides = array<i32>} : memref<48x256xf32, #tpu.memory_space<vmem>>, vector<1x16xf32>,
        %get3A_170 = vector.shape_cast %get3A_169 : vector<1x16xf32> to vector<16xf32>
        %mul3A_171 = vector.broadcast %squeeze3A_109 : f32 to vector<16xf32>
        %mul3A_172 = arith.mulf %get3A_170, %mul3A_171 : vector<16xf32>
        %add3A_173 = arith.addf %add3A_162, %mul3A_172 : vector<16xf32>
        %swap3A_174 = arith.index_cast %scan3A_100 : i32 to index
        %swap3A_175 = arith.constant 16 : index
        %swap3A_176 = tpu.vector_load %arg11[%swap3A_174, %swap3A_175] {strides = array<i32>} : memref<16x256xf32, #tpu.memory_space<vmem>>, vector<1x16xf32>,
        %swap3A_177 = vector.shape_cast %swap3A_176 : vector<1x16xf32> to vector<16xf32>
        %swap3A_178 = vector.shape_cast %add3A_173 : vector<16xf32> to vector<1x16xf32>
        tpu.vector_store %arg11[%swap3A_174, %swap3A_175], %swap3A_178 {strides = array<i32>} : memref<16x256xf32, #tpu.memory_space<vmem>>, vector<1x16xf32>,
        %mul3A_179 = arith.constant 3 : i32
        %mul3A_180 = arith.muli %mul3A_179, %scan3A_100 : i32
        %get3A_181 = arith.index_cast %mul3A_180 : i32 to index
        %get3A_182 = arith.constant 32 : index
        %get3A_183 = tpu.vector_load %arg9[%get3A_181, %get3A_182] {strides = array<i32>} : memref<48x256xf32, #tpu.memory_space<vmem>>, vector<1x16xf32>,
        %get3A_184 = vector.shape_cast %get3A_183 : vector<1x16xf32> to vector<16xf32>
        %mul3A_185 = vector.broadcast %squeeze3A : f32 to vector<16xf32>
        %mul3A_186 = arith.mulf %get3A_184, %mul3A_185 : vector<16xf32>
        %mul3A_187 = arith.constant 3 : i32
        %mul3A_188 = arith.muli %mul3A_187, %scan3A_100 : i32
        %add3A_189 = arith.constant 1 : i32
        %add3A_190 = arith.addi %mul3A_188, %add3A_189 : i32
        %get3A_191 = arith.index_cast %add3A_190 : i32 to index
        %get3A_192 = arith.constant 32 : index
        %get3A_193 = tpu.vector_load %arg9[%get3A_191, %get3A_192] {strides = array<i32>} : memref<48x256xf32, #tpu.memory_space<vmem>>, vector<1x16xf32>,
        %get3A_194 = vector.shape_cast %get3A_193 : vector<1x16xf32> to vector<16xf32>
        %mul3A_195 = vector.broadcast %squeeze3A_107 : f32 to vector<16xf32>
        %mul3A_196 = arith.mulf %get3A_194, %mul3A_195 : vector<16xf32>
        %add3A_197 = arith.addf %mul3A_186, %mul3A_196 : vector<16xf32>
        %mul3A_198 = arith.constant 3 : i32
        %mul3A_199 = arith.muli %mul3A_198, %scan3A_100 : i32
        %add3A_200 = arith.constant 2 : i32
        %add3A_201 = arith.addi %mul3A_199, %add3A_200 : i32
        %get3A_202 = arith.index_cast %add3A_201 : i32 to index
        %get3A_203 = arith.constant 32 : index
        %get3A_204 = tpu.vector_load %arg9[%get3A_202, %get3A_203] {strides = array<i32>} : memref<48x256xf32, #tpu.memory_space<vmem>>, vector<1x16xf32>,
        %get3A_205 = vector.shape_cast %get3A_204 : vector<1x16xf32> to vector<16xf32>
        %mul3A_206 = vector.broadcast %squeeze3A_109 : f32 to vector<16xf32>
        %mul3A_207 = arith.mulf %get3A_205, %mul3A_206 : vector<16xf32>
        %add3A_208 = arith.addf %add3A_197, %mul3A_207 : vector<16xf32>
        %swap3A_209 = arith.index_cast %scan3A_100 : i32 to index
        %swap3A_210 = arith.constant 32 : index
        %swap3A_211 = tpu.vector_load %arg11[%swap3A_209, %swap3A_210] {strides = array<i32>} : memref<16x256xf32, #tpu.memory_space<vmem>>, vector<1x16xf32>,
        %swap3A_212 = vector.shape_cast %swap3A_211 : vector<1x16xf32> to vector<16xf32>
        %swap3A_213 = vector.shape_cast %add3A_208 : vector<16xf32> to vector<1x16xf32>
        tpu.vector_store %arg11[%swap3A_209, %swap3A_210], %swap3A_213 {strides = array<i32>} : memref<16x256xf32, #tpu.memory_space<vmem>>, vector<1x16xf32>,
        %mul3A_214 = arith.constant 3 : i32
        %mul3A_215 = arith.muli %mul3A_214, %scan3A_100 : i32
        %get3A_216 = arith.index_cast %mul3A_215 : i32 to index
        %get3A_217 = arith.constant 48 : index
        %get3A_218 = tpu.vector_load %arg9[%get3A_216, %get3A_217] {strides = array<i32>} : memref<48x256xf32, #tpu.memory_space<vmem>>, vector<1x16xf32>,
        %get3A_219 = vector.shape_cast %get3A_218 : vector<1x16xf32> to vector<16xf32>
        %mul3A_220 = vector.broadcast %squeeze3A : f32 to vector<16xf32>
        %mul3A_221 = arith.mulf %get3A_219, %mul3A_220 : vector<16xf32>
        %mul3A_222 = arith.constant 3 : i32
        %mul3A_223 = arith.muli %mul3A_222, %scan3A_100 : i32
        %add3A_224 = arith.constant 1 : i32
        %add3A_225 = arith.addi %mul3A_223, %add3A_224 : i32
        %get3A_226 = arith.index_cast %add3A_225 : i32 to index
        %get3A_227 = arith.constant 48 : index
        %get3A_228 = tpu.vector_load %arg9[%get3A_226, %get3A_227] {strides = array<i32>} : memref<48x256xf32, #tpu.memory_space<vmem>>, vector<1x16xf32>,
        %get3A_229 = vector.shape_cast %get3A_228 : vector<1x16xf32> to vector<16xf32>
        %mul3A_230 = vector.broadcast %squeeze3A_107 : f32 to vector<16xf32>
        %mul3A_231 = arith.mulf %get3A_229, %mul3A_230 : vector<16xf32>
        %add3A_232 = arith.addf %mul3A_221, %mul3A_231 : vector<16xf32>
        %mul3A_233 = arith.constant 3 : i32
        %mul3A_234 = arith.muli %mul3A_233, %scan3A_100 : i32
        %add3A_235 = arith.constant 2 : i32
        %add3A_236 = arith.addi %mul3A_234, %add3A_235 : i32
        %get3A_237 = arith.index_cast %add3A_236 : i32 to index
        %get3A_238 = arith.constant 48 : index
        %get3A_239 = tpu.vector_load %arg9[%get3A_237, %get3A_238] {strides = array<i32>} : memref<48x256xf32, #tpu.memory_space<vmem>>, vector<1x16xf32>,
        %get3A_240 = vector.shape_cast %get3A_239 : vector<1x16xf32> to vector<16xf32>
        %mul3A_241 = vector.broadcast %squeeze3A_109 : f32 to vector<16xf32>
        %mul3A_242 = arith.mulf %get3A_240, %mul3A_241 : vector<16xf32>
        %add3A_243 = arith.addf %add3A_232, %mul3A_242 : vector<16xf32>
        %swap3A_244 = arith.index_cast %scan3A_100 : i32 to index
        %swap3A_245 = arith.constant 48 : index
        %swap3A_246 = tpu.vector_load %arg11[%swap3A_244, %swap3A_245] {strides = array<i32>} : memref<16x256xf32, #tpu.memory_space<vmem>>, vector<1x16xf32>,
        %swap3A_247 = vector.shape_cast %swap3A_246 : vector<1x16xf32> to vector<16xf32>
        %swap3A_248 = vector.shape_cast %add3A_243 : vector<16xf32> to vector<1x16xf32>
        tpu.vector_store %arg11[%swap3A_244, %swap3A_245], %swap3A_248 {strides = array<i32>} : memref<16x256xf32, #tpu.memory_space<vmem>>, vector<1x16xf32>,
        %mul3A_249 = arith.constant 3 : i32
        %mul3A_250 = arith.muli %mul3A_249, %scan3A_100 : i32
        %get3A_251 = arith.index_cast %mul3A_250 : i32 to index
        %get3A_252 = arith.constant 64 : index
        %get3A_253 = tpu.vector_load %arg9[%get3A_251, %get3A_252] {strides = array<i32>} : memref<48x256xf32, #tpu.memory_space<vmem>>, vector<1x16xf32>,
        %get3A_254 = vector.shape_cast %get3A_253 : vector<1x16xf32> to vector<16xf32>
        %mul3A_255 = vector.broadcast %squeeze3A : f32 to vector<16xf32>
        %mul3A_256 = arith.mulf %get3A_254, %mul3A_255 : vector<16xf32>
        %mul3A_257 = arith.constant 3 : i32
        %mul3A_258 = arith.muli %mul3A_257, %scan3A_100 : i32
        %add3A_259 = arith.constant 1 : i32
        %add3A_260 = arith.addi %mul3A_258, %add3A_259 : i32
        %get3A_261 = arith.index_cast %add3A_260 : i32 to index
        %get3A_262 = arith.constant 64 : index
        %get3A_263 = tpu.vector_load %arg9[%get3A_261, %get3A_262] {strides = array<i32>} : memref<48x256xf32, #tpu.memory_space<vmem>>, vector<1x16xf32>,
        %get3A_264 = vector.shape_cast %get3A_263 : vector<1x16xf32> to vector<16xf32>
        %mul3A_265 = vector.broadcast %squeeze3A_107 : f32 to vector<16xf32>
        %mul3A_266 = arith.mulf %get3A_264, %mul3A_265 : vector<16xf32>
        %add3A_267 = arith.addf %mul3A_256, %mul3A_266 : vector<16xf32>
        %mul3A_268 = arith.constant 3 : i32
        %mul3A_269 = arith.muli %mul3A_268, %scan3A_100 : i32
        %add3A_270 = arith.constant 2 : i32
        %add3A_271 = arith.addi %mul3A_269, %add3A_270 : i32
        %get3A_272 = arith.index_cast %add3A_271 : i32 to index
        %get3A_273 = arith.constant 64 : index
        %get3A_274 = tpu.vector_load %arg9[%get3A_272, %get3A_273] {strides = array<i32>} : memref<48x256xf32, #tpu.memory_space<vmem>>, vector<1x16xf32>,
        %get3A_275 = vector.shape_cast %get3A_274 : vector<1x16xf32> to vector<16xf32>
        %mul3A_276 = vector.broadcast %squeeze3A_109 : f32 to vector<16xf32>
        %mul3A_277 = arith.mulf %get3A_275, %mul3A_276 : vector<16xf32>
        %add3A_278 = arith.addf %add3A_267, %mul3A_277 : vector<16xf32>
        %swap3A_279 = arith.index_cast %scan3A_100 : i32 to index
        %swap3A_280 = arith.constant 64 : index
        %swap3A_281 = tpu.vector_load %arg11[%swap3A_279, %swap3A_280] {strides = array<i32>} : memref<16x256xf32, #tpu.memory_space<vmem>>, vector<1x16xf32>,
        %swap3A_282 = vector.shape_cast %swap3A_281 : vector<1x16xf32> to vector<16xf32>
        %swap3A_283 = vector.shape_cast %add3A_278 : vector<16xf32> to vector<1x16xf32>
        tpu.vector_store %arg11[%swap3A_279, %swap3A_280], %swap3A_283 {strides = array<i32>} : memref<16x256xf32, #tpu.memory_space<vmem>>, vector<1x16xf32>,
        %mul3A_284 = arith.constant 3 : i32
        %mul3A_285 = arith.muli %mul3A_284, %scan3A_100 : i32
        %get3A_286 = arith.index_cast %mul3A_285 : i32 to index
        %get3A_287 = arith.constant 80 : index
        %get3A_288 = tpu.vector_load %arg9[%get3A_286, %get3A_287] {strides = array<i32>} : memref<48x256xf32, #tpu.memory_space<vmem>>, vector<1x16xf32>,
        %get3A_289 = vector.shape_cast %get3A_288 : vector<1x16xf32> to vector<16xf32>
        %mul3A_290 = vector.broadcast %squeeze3A : f32 to vector<16xf32>
        %mul3A_291 = arith.mulf %get3A_289, %mul3A_290 : vector<16xf32>
        %mul3A_292 = arith.constant 3 : i32
        %mul3A_293 = arith.muli %mul3A_292, %scan3A_100 : i32
        %add3A_294 = arith.constant 1 : i32
        %add3A_295 = arith.addi %mul3A_293, %add3A_294 : i32
        %get3A_296 = arith.index_cast %add3A_295 : i32 to index
        %get3A_297 = arith.constant 80 : index
        %get3A_298 = tpu.vector_load %arg9[%get3A_296, %get3A_297] {strides = array<i32>} : memref<48x256xf32, #tpu.memory_space<vmem>>, vector<1x16xf32>,
        %get3A_299 = vector.shape_cast %get3A_298 : vector<1x16xf32> to vector<16xf32>
        %mul3A_300 = vector.broadcast %squeeze3A_107 : f32 to vector<16xf32>
        %mul3A_301 = arith.mulf %get3A_299, %mul3A_300 : vector<16xf32>
        %add3A_302 = arith.addf %mul3A_291, %mul3A_301 : vector<16xf32>
        %mul3A_303 = arith.constant 3 : i32
        %mul3A_304 = arith.muli %mul3A_303, %scan3A_100 : i32
        %add3A_305 = arith.constant 2 : i32
        %add3A_306 = arith.addi %mul3A_304, %add3A_305 : i32
        %get3A_307 = arith.index_cast %add3A_306 : i32 to index
        %get3A_308 = arith.constant 80 : index
        %get3A_309 = tpu.vector_load %arg9[%get3A_307, %get3A_308] {strides = array<i32>} : memref<48x256xf32, #tpu.memory_space<vmem>>, vector<1x16xf32>,
        %get3A_310 = vector.shape_cast %get3A_309 : vector<1x16xf32> to vector<16xf32>
        %mul3A_311 = vector.broadcast %squeeze3A_109 : f32 to vector<16xf32>
        %mul3A_312 = arith.mulf %get3A_310, %mul3A_311 : vector<16xf32>
        %add3A_313 = arith.addf %add3A_302, %mul3A_312 : vector<16xf32>
        %swap3A_314 = arith.index_cast %scan3A_100 : i32 to index
        %swap3A_315 = arith.constant 80 : index
        %swap3A_316 = tpu.vector_load %arg11[%swap3A_314, %swap3A_315] {strides = array<i32>} : memref<16x256xf32, #tpu.memory_space<vmem>>, vector<1x16xf32>,
        %swap3A_317 = vector.shape_cast %swap3A_316 : vector<1x16xf32> to vector<16xf32>
        %swap3A_318 = vector.shape_cast %add3A_313 : vector<16xf32> to vector<1x16xf32>
        tpu.vector_store %arg11[%swap3A_314, %swap3A_315], %swap3A_318 {strides = array<i32>} : memref<16x256xf32, #tpu.memory_space<vmem>>, vector<1x16xf32>,
        %mul3A_319 = arith.constant 3 : i32
        %mul3A_320 = arith.muli %mul3A_319, %scan3A_100 : i32
        %get3A_321 = arith.index_cast %mul3A_320 : i32 to index
        %get3A_322 = arith.constant 96 : index
        %get3A_323 = tpu.vector_load %arg9[%get3A_321, %get3A_322] {strides = array<i32>} : memref<48x256xf32, #tpu.memory_space<vmem>>, vector<1x16xf32>,
        %get3A_324 = vector.shape_cast %get3A_323 : vector<1x16xf32> to vector<16xf32>
        %mul3A_325 = vector.broadcast %squeeze3A : f32 to vector<16xf32>
        %mul3A_326 = arith.mulf %get3A_324, %mul3A_325 : vector<16xf32>
        %mul3A_327 = arith.constant 3 : i32
        %mul3A_328 = arith.muli %mul3A_327, %scan3A_100 : i32
        %add3A_329 = arith.constant 1 : i32
        %add3A_330 = arith.addi %mul3A_328, %add3A_329 : i32
        %get3A_331 = arith.index_cast %add3A_330 : i32 to index
        %get3A_332 = arith.constant 96 : index
        %get3A_333 = tpu.vector_load %arg9[%get3A_331, %get3A_332] {strides = array<i32>} : memref<48x256xf32, #tpu.memory_space<vmem>>, vector<1x16xf32>,
        %get3A_334 = vector.shape_cast %get3A_333 : vector<1x16xf32> to vector<16xf32>
        %mul3A_335 = vector.broadcast %squeeze3A_107 : f32 to vector<16xf32>
        %mul3A_336 = arith.mulf %get3A_334, %mul3A_335 : vector<16xf32>
        %add3A_337 = arith.addf %mul3A_326, %mul3A_336 : vector<16xf32>
        %mul3A_338 = arith.constant 3 : i32
        %mul3A_339 = arith.muli %mul3A_338, %scan3A_100 : i32
        %add3A_340 = arith.constant 2 : i32
        %add3A_341 = arith.addi %mul3A_339, %add3A_340 : i32
        %get3A_342 = arith.index_cast %add3A_341 : i32 to index
        %get3A_343 = arith.constant 96 : index
        %get3A_344 = tpu.vector_load %arg9[%get3A_342, %get3A_343] {strides = array<i32>} : memref<48x256xf32, #tpu.memory_space<vmem>>, vector<1x16xf32>,
        %get3A_345 = vector.shape_cast %get3A_344 : vector<1x16xf32> to vector<16xf32>
        %mul3A_346 = vector.broadcast %squeeze3A_109 : f32 to vector<16xf32>
        %mul3A_347 = arith.mulf %get3A_345, %mul3A_346 : vector<16xf32>
        %add3A_348 = arith.addf %add3A_337, %mul3A_347 : vector<16xf32>
        %swap3A_349 = arith.index_cast %scan3A_100 : i32 to index
        %swap3A_350 = arith.constant 96 : index
        %swap3A_351 = tpu.vector_load %arg11[%swap3A_349, %swap3A_350] {strides = array<i32>} : memref<16x256xf32, #tpu.memory_space<vmem>>, vector<1x16xf32>,
        %swap3A_352 = vector.shape_cast %swap3A_351 : vector<1x16xf32> to vector<16xf32>
        %swap3A_353 = vector.shape_cast %add3A_348 : vector<16xf32> to vector<1x16xf32>
        tpu.vector_store %arg11[%swap3A_349, %swap3A_350], %swap3A_353 {strides = array<i32>} : memref<16x256xf32, #tpu.memory_space<vmem>>, vector<1x16xf32>,
        %mul3A_354 = arith.constant 3 : i32
        %mul3A_355 = arith.muli %mul3A_354, %scan3A_100 : i32
        %get3A_356 = arith.index_cast %mul3A_355 : i32 to index
        %get3A_357 = arith.constant 112 : index
        %get3A_358 = tpu.vector_load %arg9[%get3A_356, %get3A_357] {strides = array<i32>} : memref<48x256xf32, #tpu.memory_space<vmem>>, vector<1x16xf32>,
        %get3A_359 = vector.shape_cast %get3A_358 : vector<1x16xf32> to vector<16xf32>
        %mul3A_360 = vector.broadcast %squeeze3A : f32 to vector<16xf32>
        %mul3A_361 = arith.mulf %get3A_359, %mul3A_360 : vector<16xf32>
        %mul3A_362 = arith.constant 3 : i32
        %mul3A_363 = arith.muli %mul3A_362, %scan3A_100 : i32
        %add3A_364 = arith.constant 1 : i32
        %add3A_365 = arith.addi %mul3A_363, %add3A_364 : i32
        %get3A_366 = arith.index_cast %add3A_365 : i32 to index
        %get3A_367 = arith.constant 112 : index
        %get3A_368 = tpu.vector_load %arg9[%get3A_366, %get3A_367] {strides = array<i32>} : memref<48x256xf32, #tpu.memory_space<vmem>>, vector<1x16xf32>,
        %get3A_369 = vector.shape_cast %get3A_368 : vector<1x16xf32> to vector<16xf32>
        %mul3A_370 = vector.broadcast %squeeze3A_107 : f32 to vector<16xf32>
        %mul3A_371 = arith.mulf %get3A_369, %mul3A_370 : vector<16xf32>
        %add3A_372 = arith.addf %mul3A_361, %mul3A_371 : vector<16xf32>
        %mul3A_373 = arith.constant 3 : i32
        %mul3A_374 = arith.muli %mul3A_373, %scan3A_100 : i32
        %add3A_375 = arith.constant 2 : i32
        %add3A_376 = arith.addi %mul3A_374, %add3A_375 : i32
        %get3A_377 = arith.index_cast %add3A_376 : i32 to index
        %get3A_378 = arith.constant 112 : index
        %get3A_379 = tpu.vector_load %arg9[%get3A_377, %get3A_378] {strides = array<i32>} : memref<48x256xf32, #tpu.memory_space<vmem>>, vector<1x16xf32>,
        %get3A_380 = vector.shape_cast %get3A_379 : vector<1x16xf32> to vector<16xf32>
        %mul3A_381 = vector.broadcast %squeeze3A_109 : f32 to vector<16xf32>
        %mul3A_382 = arith.mulf %get3A_380, %mul3A_381 : vector<16xf32>
        %add3A_383 = arith.addf %add3A_372, %mul3A_382 : vector<16xf32>
        %swap3A_384 = arith.index_cast %scan3A_100 : i32 to index
        %swap3A_385 = arith.constant 112 : index
        %swap3A_386 = tpu.vector_load %arg11[%swap3A_384, %swap3A_385] {strides = array<i32>} : memref<16x256xf32, #tpu.memory_space<vmem>>, vector<1x16xf32>,
        %swap3A_387 = vector.shape_cast %swap3A_386 : vector<1x16xf32> to vector<16xf32>
        %swap3A_388 = vector.shape_cast %add3A_383 : vector<16xf32> to vector<1x16xf32>
        tpu.vector_store %arg11[%swap3A_384, %swap3A_385], %swap3A_388 {strides = array<i32>} : memref<16x256xf32, #tpu.memory_space<vmem>>, vector<1x16xf32>,
        %mul3A_389 = arith.constant 3 : i32
        %mul3A_390 = arith.muli %mul3A_389, %scan3A_100 : i32
        %get3A_391 = arith.index_cast %mul3A_390 : i32 to index
        %get3A_392 = arith.constant 128 : index
        %get3A_393 = tpu.vector_load %arg9[%get3A_391, %get3A_392] {strides = array<i32>} : memref<48x256xf32, #tpu.memory_space<vmem>>, vector<1x16xf32>,
        %get3A_394 = vector.shape_cast %get3A_393 : vector<1x16xf32> to vector<16xf32>
        %mul3A_395 = vector.broadcast %squeeze3A : f32 to vector<16xf32>
        %mul3A_396 = arith.mulf %get3A_394, %mul3A_395 : vector<16xf32>
        %mul3A_397 = arith.constant 3 : i32
        %mul3A_398 = arith.muli %mul3A_397, %scan3A_100 : i32
        %add3A_399 = arith.constant 1 : i32
        %add3A_400 = arith.addi %mul3A_398, %add3A_399 : i32
        %get3A_401 = arith.index_cast %add3A_400 : i32 to index
        %get3A_402 = arith.constant 128 : index
        %get3A_403 = tpu.vector_load %arg9[%get3A_401, %get3A_402] {strides = array<i32>} : memref<48x256xf32, #tpu.memory_space<vmem>>, vector<1x16xf32>,
        %get3A_404 = vector.shape_cast %get3A_403 : vector<1x16xf32> to vector<16xf32>
        %mul3A_405 = vector.broadcast %squeeze3A_107 : f32 to vector<16xf32>
        %mul3A_406 = arith.mulf %get3A_404, %mul3A_405 : vector<16xf32>
        %add3A_407 = arith.addf %mul3A_396, %mul3A_406 : vector<16xf32>
        %mul3A_408 = arith.constant 3 : i32
        %mul3A_409 = arith.muli %mul3A_408, %scan3A_100 : i32
        %add3A_410 = arith.constant 2 : i32
        %add3A_411 = arith.addi %mul3A_409, %add3A_410 : i32
        %get3A_412 = arith.index_cast %add3A_411 : i32 to index
        %get3A_413 = arith.constant 128 : index
        %get3A_414 = tpu.vector_load %arg9[%get3A_412, %get3A_413] {strides = array<i32>} : memref<48x256xf32, #tpu.memory_space<vmem>>, vector<1x16xf32>,
        %get3A_415 = vector.shape_cast %get3A_414 : vector<1x16xf32> to vector<16xf32>
        %mul3A_416 = vector.broadcast %squeeze3A_109 : f32 to vector<16xf32>
        %mul3A_417 = arith.mulf %get3A_415, %mul3A_416 : vector<16xf32>
        %add3A_418 = arith.addf %add3A_407, %mul3A_417 : vector<16xf32>
        %swap3A_419 = arith.index_cast %scan3A_100 : i32 to index
        %swap3A_420 = arith.constant 128 : index
        %swap3A_421 = tpu.vector_load %arg11[%swap3A_419, %swap3A_420] {strides = array<i32>} : memref<16x256xf32, #tpu.memory_space<vmem>>, vector<1x16xf32>,
        %swap3A_422 = vector.shape_cast %swap3A_421 : vector<1x16xf32> to vector<16xf32>
        %swap3A_423 = vector.shape_cast %add3A_418 : vector<16xf32> to vector<1x16xf32>
        tpu.vector_store %arg11[%swap3A_419, %swap3A_420], %swap3A_423 {strides = array<i32>} : memref<16x256xf32, #tpu.memory_space<vmem>>, vector<1x16xf32>,
        %mul3A_424 = arith.constant 3 : i32
        %mul3A_425 = arith.muli %mul3A_424, %scan3A_100 : i32
        %get3A_426 = arith.index_cast %mul3A_425 : i32 to index
        %get3A_427 = arith.constant 144 : index
        %get3A_428 = tpu.vector_load %arg9[%get3A_426, %get3A_427] {strides = array<i32>} : memref<48x256xf32, #tpu.memory_space<vmem>>, vector<1x16xf32>,
        %get3A_429 = vector.shape_cast %get3A_428 : vector<1x16xf32> to vector<16xf32>
        %mul3A_430 = vector.broadcast %squeeze3A : f32 to vector<16xf32>
        %mul3A_431 = arith.mulf %get3A_429, %mul3A_430 : vector<16xf32>
        %mul3A_432 = arith.constant 3 : i32
        %mul3A_433 = arith.muli %mul3A_432, %scan3A_100 : i32
        %add3A_434 = arith.constant 1 : i32
        %add3A_435 = arith.addi %mul3A_433, %add3A_434 : i32
        %get3A_436 = arith.index_cast %add3A_435 : i32 to index
        %get3A_437 = arith.constant 144 : index
        %get3A_438 = tpu.vector_load %arg9[%get3A_436, %get3A_437] {strides = array<i32>} : memref<48x256xf32, #tpu.memory_space<vmem>>, vector<1x16xf32>,
        %get3A_439 = vector.shape_cast %get3A_438 : vector<1x16xf32> to vector<16xf32>
        %mul3A_440 = vector.broadcast %squeeze3A_107 : f32 to vector<16xf32>
        %mul3A_441 = arith.mulf %get3A_439, %mul3A_440 : vector<16xf32>
        %add3A_442 = arith.addf %mul3A_431, %mul3A_441 : vector<16xf32>
        %mul3A_443 = arith.constant 3 : i32
        %mul3A_444 = arith.muli %mul3A_443, %scan3A_100 : i32
        %add3A_445 = arith.constant 2 : i32
        %add3A_446 = arith.addi %mul3A_444, %add3A_445 : i32
        %get3A_447 = arith.index_cast %add3A_446 : i32 to index
        %get3A_448 = arith.constant 144 : index
        %get3A_449 = tpu.vector_load %arg9[%get3A_447, %get3A_448] {strides = array<i32>} : memref<48x256xf32, #tpu.memory_space<vmem>>, vector<1x16xf32>,
        %get3A_450 = vector.shape_cast %get3A_449 : vector<1x16xf32> to vector<16xf32>
        %mul3A_451 = vector.broadcast %squeeze3A_109 : f32 to vector<16xf32>
        %mul3A_452 = arith.mulf %get3A_450, %mul3A_451 : vector<16xf32>
        %add3A_453 = arith.addf %add3A_442, %mul3A_452 : vector<16xf32>
        %swap3A_454 = arith.index_cast %scan3A_100 : i32 to index
        %swap3A_455 = arith.constant 144 : index
        %swap3A_456 = tpu.vector_load %arg11[%swap3A_454, %swap3A_455] {strides = array<i32>} : memref<16x256xf32, #tpu.memory_space<vmem>>, vector<1x16xf32>,
        %swap3A_457 = vector.shape_cast %swap3A_456 : vector<1x16xf32> to vector<16xf32>
        %swap3A_458 = vector.shape_cast %add3A_453 : vector<16xf32> to vector<1x16xf32>
        tpu.vector_store %arg11[%swap3A_454, %swap3A_455], %swap3A_458 {strides = array<i32>} : memref<16x256xf32, #tpu.memory_space<vmem>>, vector<1x16xf32>,
        %mul3A_459 = arith.constant 3 : i32
        %mul3A_460 = arith.muli %mul3A_459, %scan3A_100 : i32
        %get3A_461 = arith.index_cast %mul3A_460 : i32 to index
        %get3A_462 = arith.constant 160 : index
        %get3A_463 = tpu.vector_load %arg9[%get3A_461, %get3A_462] {strides = array<i32>} : memref<48x256xf32, #tpu.memory_space<vmem>>, vector<1x16xf32>,
        %get3A_464 = vector.shape_cast %get3A_463 : vector<1x16xf32> to vector<16xf32>
        %mul3A_465 = vector.broadcast %squeeze3A : f32 to vector<16xf32>
        %mul3A_466 = arith.mulf %get3A_464, %mul3A_465 : vector<16xf32>
        %mul3A_467 = arith.constant 3 : i32
        %mul3A_468 = arith.muli %mul3A_467, %scan3A_100 : i32
        %add3A_469 = arith.constant 1 : i32
        %add3A_470 = arith.addi %mul3A_468, %add3A_469 : i32
        %get3A_471 = arith.index_cast %add3A_470 : i32 to index
        %get3A_472 = arith.constant 160 : index
        %get3A_473 = tpu.vector_load %arg9[%get3A_471, %get3A_472] {strides = array<i32>} : memref<48x256xf32, #tpu.memory_space<vmem>>, vector<1x16xf32>,
        %get3A_474 = vector.shape_cast %get3A_473 : vector<1x16xf32> to vector<16xf32>
        %mul3A_475 = vector.broadcast %squeeze3A_107 : f32 to vector<16xf32>
        %mul3A_476 = arith.mulf %get3A_474, %mul3A_475 : vector<16xf32>
        %add3A_477 = arith.addf %mul3A_466, %mul3A_476 : vector<16xf32>
        %mul3A_478 = arith.constant 3 : i32
        %mul3A_479 = arith.muli %mul3A_478, %scan3A_100 : i32
        %add3A_480 = arith.constant 2 : i32
        %add3A_481 = arith.addi %mul3A_479, %add3A_480 : i32
        %get3A_482 = arith.index_cast %add3A_481 : i32 to index
        %get3A_483 = arith.constant 160 : index
        %get3A_484 = tpu.vector_load %arg9[%get3A_482, %get3A_483] {strides = array<i32>} : memref<48x256xf32, #tpu.memory_space<vmem>>, vector<1x16xf32>,
        %get3A_485 = vector.shape_cast %get3A_484 : vector<1x16xf32> to vector<16xf32>
        %mul3A_486 = vector.broadcast %squeeze3A_109 : f32 to vector<16xf32>
        %mul3A_487 = arith.mulf %get3A_485, %mul3A_486 : vector<16xf32>
        %add3A_488 = arith.addf %add3A_477, %mul3A_487 : vector<16xf32>
        %swap3A_489 = arith.index_cast %scan3A_100 : i32 to index
        %swap3A_490 = arith.constant 160 : index
        %swap3A_491 = tpu.vector_load %arg11[%swap3A_489, %swap3A_490] {strides = array<i32>} : memref<16x256xf32, #tpu.memory_space<vmem>>, vector<1x16xf32>,
        %swap3A_492 = vector.shape_cast %swap3A_491 : vector<1x16xf32> to vector<16xf32>
        %swap3A_493 = vector.shape_cast %add3A_488 : vector<16xf32> to vector<1x16xf32>
        tpu.vector_store %arg11[%swap3A_489, %swap3A_490], %swap3A_493 {strides = array<i32>} : memref<16x256xf32, #tpu.memory_space<vmem>>, vector<1x16xf32>,
        %mul3A_494 = arith.constant 3 : i32
        %mul3A_495 = arith.muli %mul3A_494, %scan3A_100 : i32
        %get3A_496 = arith.index_cast %mul3A_495 : i32 to index
        %get3A_497 = arith.constant 176 : index
        %get3A_498 = tpu.vector_load %arg9[%get3A_496, %get3A_497] {strides = array<i32>} : memref<48x256xf32, #tpu.memory_space<vmem>>, vector<1x16xf32>,
        %get3A_499 = vector.shape_cast %get3A_498 : vector<1x16xf32> to vector<16xf32>
        %mul3A_500 = vector.broadcast %squeeze3A : f32 to vector<16xf32>
        %mul3A_501 = arith.mulf %get3A_499, %mul3A_500 : vector<16xf32>
        %mul3A_502 = arith.constant 3 : i32
        %mul3A_503 = arith.muli %mul3A_502, %scan3A_100 : i32
        %add3A_504 = arith.constant 1 : i32
        %add3A_505 = arith.addi %mul3A_503, %add3A_504 : i32
        %get3A_506 = arith.index_cast %add3A_505 : i32 to index
        %get3A_507 = arith.constant 176 : index
        %get3A_508 = tpu.vector_load %arg9[%get3A_506, %get3A_507] {strides = array<i32>} : memref<48x256xf32, #tpu.memory_space<vmem>>, vector<1x16xf32>,
        %get3A_509 = vector.shape_cast %get3A_508 : vector<1x16xf32> to vector<16xf32>
        %mul3A_510 = vector.broadcast %squeeze3A_107 : f32 to vector<16xf32>
        %mul3A_511 = arith.mulf %get3A_509, %mul3A_510 : vector<16xf32>
        %add3A_512 = arith.addf %mul3A_501, %mul3A_511 : vector<16xf32>
        %mul3A_513 = arith.constant 3 : i32
        %mul3A_514 = arith.muli %mul3A_513, %scan3A_100 : i32
        %add3A_515 = arith.constant 2 : i32
        %add3A_516 = arith.addi %mul3A_514, %add3A_515 : i32
        %get3A_517 = arith.index_cast %add3A_516 : i32 to index
        %get3A_518 = arith.constant 176 : index
        %get3A_519 = tpu.vector_load %arg9[%get3A_517, %get3A_518] {strides = array<i32>} : memref<48x256xf32, #tpu.memory_space<vmem>>, vector<1x16xf32>,
        %get3A_520 = vector.shape_cast %get3A_519 : vector<1x16xf32> to vector<16xf32>
        %mul3A_521 = vector.broadcast %squeeze3A_109 : f32 to vector<16xf32>
        %mul3A_522 = arith.mulf %get3A_520, %mul3A_521 : vector<16xf32>
        %add3A_523 = arith.addf %add3A_512, %mul3A_522 : vector<16xf32>
        %swap3A_524 = arith.index_cast %scan3A_100 : i32 to index
        %swap3A_525 = arith.constant 176 : index
        %swap3A_526 = tpu.vector_load %arg11[%swap3A_524, %swap3A_525] {strides = array<i32>} : memref<16x256xf32, #tpu.memory_space<vmem>>, vector<1x16xf32>,
        %swap3A_527 = vector.shape_cast %swap3A_526 : vector<1x16xf32> to vector<16xf32>
        %swap3A_528 = vector.shape_cast %add3A_523 : vector<16xf32> to vector<1x16xf32>
        tpu.vector_store %arg11[%swap3A_524, %swap3A_525], %swap3A_528 {strides = array<i32>} : memref<16x256xf32, #tpu.memory_space<vmem>>, vector<1x16xf32>,
        %mul3A_529 = arith.constant 3 : i32
        %mul3A_530 = arith.muli %mul3A_529, %scan3A_100 : i32
        %get3A_531 = arith.index_cast %mul3A_530 : i32 to index
        %get3A_532 = arith.constant 192 : index
        %get3A_533 = tpu.vector_load %arg9[%get3A_531, %get3A_532] {strides = array<i32>} : memref<48x256xf32, #tpu.memory_space<vmem>>, vector<1x16xf32>,
        %get3A_534 = vector.shape_cast %get3A_533 : vector<1x16xf32> to vector<16xf32>
        %mul3A_535 = vector.broadcast %squeeze3A : f32 to vector<16xf32>
        %mul3A_536 = arith.mulf %get3A_534, %mul3A_535 : vector<16xf32>
        %mul3A_537 = arith.constant 3 : i32
        %mul3A_538 = arith.muli %mul3A_537, %scan3A_100 : i32
        %add3A_539 = arith.constant 1 : i32
        %add3A_540 = arith.addi %mul3A_538, %add3A_539 : i32
        %get3A_541 = arith.index_cast %add3A_540 : i32 to index
        %get3A_542 = arith.constant 192 : index
        %get3A_543 = tpu.vector_load %arg9[%get3A_541, %get3A_542] {strides = array<i32>} : memref<48x256xf32, #tpu.memory_space<vmem>>, vector<1x16xf32>,
        %get3A_544 = vector.shape_cast %get3A_543 : vector<1x16xf32> to vector<16xf32>
        %mul3A_545 = vector.broadcast %squeeze3A_107 : f32 to vector<16xf32>
        %mul3A_546 = arith.mulf %get3A_544, %mul3A_545 : vector<16xf32>
        %add3A_547 = arith.addf %mul3A_536, %mul3A_546 : vector<16xf32>
        %mul3A_548 = arith.constant 3 : i32
        %mul3A_549 = arith.muli %mul3A_548, %scan3A_100 : i32
        %add3A_550 = arith.constant 2 : i32
        %add3A_551 = arith.addi %mul3A_549, %add3A_550 : i32
        %get3A_552 = arith.index_cast %add3A_551 : i32 to index
        %get3A_553 = arith.constant 192 : index
        %get3A_554 = tpu.vector_load %arg9[%get3A_552, %get3A_553] {strides = array<i32>} : memref<48x256xf32, #tpu.memory_space<vmem>>, vector<1x16xf32>,
        %get3A_555 = vector.shape_cast %get3A_554 : vector<1x16xf32> to vector<16xf32>
        %mul3A_556 = vector.broadcast %squeeze3A_109 : f32 to vector<16xf32>
        %mul3A_557 = arith.mulf %get3A_555, %mul3A_556 : vector<16xf32>
        %add3A_558 = arith.addf %add3A_547, %mul3A_557 : vector<16xf32>
        %swap3A_559 = arith.index_cast %scan3A_100 : i32 to index
        %swap3A_560 = arith.constant 192 : index
        %swap3A_561 = tpu.vector_load %arg11[%swap3A_559, %swap3A_560] {strides = array<i32>} : memref<16x256xf32, #tpu.memory_space<vmem>>, vector<1x16xf32>,
        %swap3A_562 = vector.shape_cast %swap3A_561 : vector<1x16xf32> to vector<16xf32>
        %swap3A_563 = vector.shape_cast %add3A_558 : vector<16xf32> to vector<1x16xf32>
        tpu.vector_store %arg11[%swap3A_559, %swap3A_560], %swap3A_563 {strides = array<i32>} : memref<16x256xf32, #tpu.memory_space<vmem>>, vector<1x16xf32>,
        %mul3A_564 = arith.constant 3 : i32
        %mul3A_565 = arith.muli %mul3A_564, %scan3A_100 : i32
        %get3A_566 = arith.index_cast %mul3A_565 : i32 to index
        %get3A_567 = arith.constant 208 : index
        %get3A_568 = tpu.vector_load %arg9[%get3A_566, %get3A_567] {strides = array<i32>} : memref<48x256xf32, #tpu.memory_space<vmem>>, vector<1x16xf32>,
        %get3A_569 = vector.shape_cast %get3A_568 : vector<1x16xf32> to vector<16xf32>
        %mul3A_570 = vector.broadcast %squeeze3A : f32 to vector<16xf32>
        %mul3A_571 = arith.mulf %get3A_569, %mul3A_570 : vector<16xf32>
        %mul3A_572 = arith.constant 3 : i32
        %mul3A_573 = arith.muli %mul3A_572, %scan3A_100 : i32
        %add3A_574 = arith.constant 1 : i32
        %add3A_575 = arith.addi %mul3A_573, %add3A_574 : i32
        %get3A_576 = arith.index_cast %add3A_575 : i32 to index
        %get3A_577 = arith.constant 208 : index
        %get3A_578 = tpu.vector_load %arg9[%get3A_576, %get3A_577] {strides = array<i32>} : memref<48x256xf32, #tpu.memory_space<vmem>>, vector<1x16xf32>,
        %get3A_579 = vector.shape_cast %get3A_578 : vector<1x16xf32> to vector<16xf32>
        %mul3A_580 = vector.broadcast %squeeze3A_107 : f32 to vector<16xf32>
        %mul3A_581 = arith.mulf %get3A_579, %mul3A_580 : vector<16xf32>
        %add3A_582 = arith.addf %mul3A_571, %mul3A_581 : vector<16xf32>
        %mul3A_583 = arith.constant 3 : i32
        %mul3A_584 = arith.muli %mul3A_583, %scan3A_100 : i32
        %add3A_585 = arith.constant 2 : i32
        %add3A_586 = arith.addi %mul3A_584, %add3A_585 : i32
        %get3A_587 = arith.index_cast %add3A_586 : i32 to index
        %get3A_588 = arith.constant 208 : index
        %get3A_589 = tpu.vector_load %arg9[%get3A_587, %get3A_588] {strides = array<i32>} : memref<48x256xf32, #tpu.memory_space<vmem>>, vector<1x16xf32>,
        %get3A_590 = vector.shape_cast %get3A_589 : vector<1x16xf32> to vector<16xf32>
        %mul3A_591 = vector.broadcast %squeeze3A_109 : f32 to vector<16xf32>
        %mul3A_592 = arith.mulf %get3A_590, %mul3A_591 : vector<16xf32>
        %add3A_593 = arith.addf %add3A_582, %mul3A_592 : vector<16xf32>
        %swap3A_594 = arith.index_cast %scan3A_100 : i32 to index
        %swap3A_595 = arith.constant 208 : index
        %swap3A_596 = tpu.vector_load %arg11[%swap3A_594, %swap3A_595] {strides = array<i32>} : memref<16x256xf32, #tpu.memory_space<vmem>>, vector<1x16xf32>,
        %swap3A_597 = vector.shape_cast %swap3A_596 : vector<1x16xf32> to vector<16xf32>
        %swap3A_598 = vector.shape_cast %add3A_593 : vector<16xf32> to vector<1x16xf32>
        tpu.vector_store %arg11[%swap3A_594, %swap3A_595], %swap3A_598 {strides = array<i32>} : memref<16x256xf32, #tpu.memory_space<vmem>>, vector<1x16xf32>,
        %mul3A_599 = arith.constant 3 : i32
        %mul3A_600 = arith.muli %mul3A_599, %scan3A_100 : i32
        %get3A_601 = arith.index_cast %mul3A_600 : i32 to index
        %get3A_602 = arith.constant 224 : index
        %get3A_603 = tpu.vector_load %arg9[%get3A_601, %get3A_602] {strides = array<i32>} : memref<48x256xf32, #tpu.memory_space<vmem>>, vector<1x16xf32>,
        %get3A_604 = vector.shape_cast %get3A_603 : vector<1x16xf32> to vector<16xf32>
        %mul3A_605 = vector.broadcast %squeeze3A : f32 to vector<16xf32>
        %mul3A_606 = arith.mulf %get3A_604, %mul3A_605 : vector<16xf32>
        %mul3A_607 = arith.constant 3 : i32
        %mul3A_608 = arith.muli %mul3A_607, %scan3A_100 : i32
        %add3A_609 = arith.constant 1 : i32
        %add3A_610 = arith.addi %mul3A_608, %add3A_609 : i32
        %get3A_611 = arith.index_cast %add3A_610 : i32 to index
        %get3A_612 = arith.constant 224 : index
        %get3A_613 = tpu.vector_load %arg9[%get3A_611, %get3A_612] {strides = array<i32>} : memref<48x256xf32, #tpu.memory_space<vmem>>, vector<1x16xf32>,
        %get3A_614 = vector.shape_cast %get3A_613 : vector<1x16xf32> to vector<16xf32>
        %mul3A_615 = vector.broadcast %squeeze3A_107 : f32 to vector<16xf32>
        %mul3A_616 = arith.mulf %get3A_614, %mul3A_615 : vector<16xf32>
        %add3A_617 = arith.addf %mul3A_606, %mul3A_616 : vector<16xf32>
        %mul3A_618 = arith.constant 3 : i32
        %mul3A_619 = arith.muli %mul3A_618, %scan3A_100 : i32
        %add3A_620 = arith.constant 2 : i32
        %add3A_621 = arith.addi %mul3A_619, %add3A_620 : i32
        %get3A_622 = arith.index_cast %add3A_621 : i32 to index
        %get3A_623 = arith.constant 224 : index
        %get3A_624 = tpu.vector_load %arg9[%get3A_622, %get3A_623] {strides = array<i32>} : memref<48x256xf32, #tpu.memory_space<vmem>>, vector<1x16xf32>,
        %get3A_625 = vector.shape_cast %get3A_624 : vector<1x16xf32> to vector<16xf32>
        %mul3A_626 = vector.broadcast %squeeze3A_109 : f32 to vector<16xf32>
        %mul3A_627 = arith.mulf %get3A_625, %mul3A_626 : vector<16xf32>
        %add3A_628 = arith.addf %add3A_617, %mul3A_627 : vector<16xf32>
        %swap3A_629 = arith.index_cast %scan3A_100 : i32 to index
        %swap3A_630 = arith.constant 224 : index
        %swap3A_631 = tpu.vector_load %arg11[%swap3A_629, %swap3A_630] {strides = array<i32>} : memref<16x256xf32, #tpu.memory_space<vmem>>, vector<1x16xf32>,
        %swap3A_632 = vector.shape_cast %swap3A_631 : vector<1x16xf32> to vector<16xf32>
        %swap3A_633 = vector.shape_cast %add3A_628 : vector<16xf32> to vector<1x16xf32>
        tpu.vector_store %arg11[%swap3A_629, %swap3A_630], %swap3A_633 {strides = array<i32>} : memref<16x256xf32, #tpu.memory_space<vmem>>, vector<1x16xf32>,
        %mul3A_634 = arith.constant 3 : i32
        %mul3A_635 = arith.muli %mul3A_634, %scan3A_100 : i32
        %get3A_636 = arith.index_cast %mul3A_635 : i32 to index
        %get3A_637 = arith.constant 240 : index
        %get3A_638 = tpu.vector_load %arg9[%get3A_636, %get3A_637] {strides = array<i32>} : memref<48x256xf32, #tpu.memory_space<vmem>>, vector<1x16xf32>,
        %get3A_639 = vector.shape_cast %get3A_638 : vector<1x16xf32> to vector<16xf32>
        %mul3A_640 = vector.broadcast %squeeze3A : f32 to vector<16xf32>
        %mul3A_641 = arith.mulf %get3A_639, %mul3A_640 : vector<16xf32>
        %mul3A_642 = arith.constant 3 : i32
        %mul3A_643 = arith.muli %mul3A_642, %scan3A_100 : i32
        %add3A_644 = arith.constant 1 : i32
        %add3A_645 = arith.addi %mul3A_643, %add3A_644 : i32
        %get3A_646 = arith.index_cast %add3A_645 : i32 to index
        %get3A_647 = arith.constant 240 : index
        %get3A_648 = tpu.vector_load %arg9[%get3A_646, %get3A_647] {strides = array<i32>} : memref<48x256xf32, #tpu.memory_space<vmem>>, vector<1x16xf32>,
        %get3A_649 = vector.shape_cast %get3A_648 : vector<1x16xf32> to vector<16xf32>
        %mul3A_650 = vector.broadcast %squeeze3A_107 : f32 to vector<16xf32>
        %mul3A_651 = arith.mulf %get3A_649, %mul3A_650 : vector<16xf32>
        %add3A_652 = arith.addf %mul3A_641, %mul3A_651 : vector<16xf32>
        %mul3A_653 = arith.constant 3 : i32
        %mul3A_654 = arith.muli %mul3A_653, %scan3A_100 : i32
        %add3A_655 = arith.constant 2 : i32
        %add3A_656 = arith.addi %mul3A_654, %add3A_655 : i32
        %get3A_657 = arith.index_cast %add3A_656 : i32 to index
        %get3A_658 = arith.constant 240 : index
        %get3A_659 = tpu.vector_load %arg9[%get3A_657, %get3A_658] {strides = array<i32>} : memref<48x256xf32, #tpu.memory_space<vmem>>, vector<1x16xf32>,
        %get3A_660 = vector.shape_cast %get3A_659 : vector<1x16xf32> to vector<16xf32>
        %mul3A_661 = vector.broadcast %squeeze3A_109 : f32 to vector<16xf32>
        %mul3A_662 = arith.mulf %get3A_660, %mul3A_661 : vector<16xf32>
        %add3A_663 = arith.addf %add3A_652, %mul3A_662 : vector<16xf32>
        %swap3A_664 = arith.index_cast %scan3A_100 : i32 to index
        %swap3A_665 = arith.constant 240 : index
        %swap3A_666 = tpu.vector_load %arg11[%swap3A_664, %swap3A_665] {strides = array<i32>} : memref<16x256xf32, #tpu.memory_space<vmem>>, vector<1x16xf32>,
        %swap3A_667 = vector.shape_cast %swap3A_666 : vector<1x16xf32> to vector<16xf32>
        %swap3A_668 = vector.shape_cast %add3A_663 : vector<16xf32> to vector<1x16xf32>
        tpu.vector_store %arg11[%swap3A_664, %swap3A_665], %swap3A_668 {strides = array<i32>} : memref<16x256xf32, #tpu.memory_space<vmem>>, vector<1x16xf32>,
        %scan3A_669 = arith.constant 0 : i32
        scf.yield %scan3A_669 : i32
      }
      %scan3A_84 = arith.constant 16 : i32
      %mul3A_85 = arith.constant 16 : i32
      %mul3A_86 = arith.muli %add3A_64, %mul3A_85 : i32
      %add3A_87 = arith.addi %mul3A_2, %mul3A_86 : i32
      %dma_start3A_88 = arith.constant 0 : i32
      %dma_start3A_89 = tpu.memref_slice %arg5[%add3A_87, %dma_start3A_88] : memref<16384x256xf32, #tpu.memory_space<hbm>> -> memref<16x256xf32, #tpu.memory_space<hbm>>
      %dma_start3A_90 = arith.constant 0 : i32
      %dma_start3A_91 = tpu.memref_slice %arg5[%add3A_87, %dma_start3A_90] : memref<16384x256xf32, #tpu.memory_space<hbm>> -> memref<16x256xf32, #tpu.memory_space<hbm>>
      tpu.enqueue_dma source(%arg11 : memref<16x256xf32, #tpu.memory_space<vmem>>) target(%dma_start3A_91 : memref<16x256xf32, #tpu.memory_space<hbm>>) target_semaphore(%arg15 : memref<!tpu.dma_semaphore, #tpu.memory_space<semaphore_mem>>)
      %add3A_92 = arith.constant 2 : i32
      %add3A_93 = arith.addi %add3A_64, %add3A_92 : i32
      %le3A_94 = arith.constant 31 : i32
      %le3A_95 = arith.cmpi sle, %add3A_93, %le3A_94 : i32
      %convert_element_type3A_96 = arith.extui %le3A_95 : i1 to i32
      %cond3A_97 = arith.constant 0 : i32
      %cond3A_98 = arith.cmpi ne, %convert_element_type3A_96, %cond3A_97 : i32
      scf.if %cond3A_98 {
        %add3A_100 = arith.constant 2 : i32
        %add3A_101 = arith.addi %add3A_64, %add3A_100 : i32
        %mul3A_102 = arith.constant 48 : i32
        %mul3A_103 = arith.muli %add3A_101, %mul3A_102 : i32
        %dma_start3A_104 = tpu.memref_slice %arg6[%mul3A_103] : memref<1536xi32, #tpu.memory_space<vmem>> -> memref<48xi32, #tpu.memory_space<vmem>>
        %dma_start3A_105 = arith.constant 0 : i32
        %dma_start3A_106 = arith.constant 0 : i32
        %dma_start3A_107 = tpu.memref_slice %arg4[%dma_start3A_105, %dma_start3A_106] : memref<4096x256xf32, #tpu.memory_space<hbm>> -> memref<4096x256xf32, #tpu.memory_space<hbm>>
        tpu.enqueue_indirect_dma source(%dma_start3A_107 : memref<4096x256xf32, #tpu.memory_space<hbm>>) target(%arg9 : memref<48x256xf32, #tpu.memory_space<vmem>>) offsets(%dma_start3A_104 : memref<48xi32, #tpu.memory_space<vmem>>) semaphore(%arg13 : memref<!tpu.dma_semaphore, #tpu.memory_space<semaphore_mem>>)
      } else {
      }
      %scan3A_99 = arith.constant 0 : i32
      scf.yield %scan3A_99 : i32
    }
    %scan3A_19 = arith.constant 16 : i32
    %dma_wait3A = arith.constant 0 : i32
    %dma_wait3A_20 = tpu.memref_slice %arg5[%mul3A_2, %dma_wait3A] : memref<16384x256xf32, #tpu.memory_space<hbm>> -> memref<16x256xf32, #tpu.memory_space<hbm>>
    %dma_wait3A_21 = arith.constant 0 : i32
    %dma_wait3A_22 = tpu.memref_slice %arg5[%mul3A_2, %dma_wait3A_21] : memref<16384x256xf32, #tpu.memory_space<hbm>> -> memref<16x256xf32, #tpu.memory_space<hbm>>
    tpu.wait_dma2 semaphore(%arg14 : memref<!tpu.dma_semaphore, #tpu.memory_space<semaphore_mem>>) src(%arg10 : memref<16x256xf32, #tpu.memory_space<vmem>>) dst(%dma_wait3A_22 : memref<16x256xf32, #tpu.memory_space<hbm>>)
    %dma_wait3A_23 = arith.constant 0 : i32
    %dma_wait3A_24 = tpu.memref_slice %arg5[%mul3A_2, %dma_wait3A_23] : memref<16384x256xf32, #tpu.memory_space<hbm>> -> memref<16x256xf32, #tpu.memory_space<hbm>>
    %dma_wait3A_25 = arith.constant 0 : i32
    %dma_wait3A_26 = tpu.memref_slice %arg5[%mul3A_2, %dma_wait3A_25] : memref<16384x256xf32, #tpu.memory_space<hbm>> -> memref<16x256xf32, #tpu.memory_space<hbm>>
    tpu.wait_dma2 semaphore(%arg15 : memref<!tpu.dma_semaphore, #tpu.memory_space<semaphore_mem>>) src(%arg11 : memref<16x256xf32, #tpu.memory_space<vmem>>) dst(%dma_wait3A_26 : memref<16x256xf32, #tpu.memory_space<hbm>>)
    return
  }
}

module attributes {stable_mosaic.version = 14 : i64} {
  func.func @_nn_body(%arg0: i32, %arg1: memref<1x2048x3xf32, #tpu.memory_space<vmem>>, %arg2: memref<1x3x512xf32, #tpu.memory_space<vmem>>, %arg3: memref<1x512x256xf32, #tpu.memory_space<vmem>>, %arg4: memref<256x256xf32, #tpu.memory_space<vmem>>, %arg5: memref<1x2048x3xi32, #tpu.memory_space<vmem>>, %arg6: memref<1x2048x16xf32, #tpu.memory_space<vmem>>, %arg7: memref<1x512x256xf32, #tpu.memory_space<vmem>>) attributes {dimension_semantics = [#tpu.dimension_semantics<arbitrary>], iteration_bounds = array<i64: 8>, scalar_prefetch = 0 : i64, scratch_operands = 0 : i64, tpu.core_type = #tpu.core_type<tc>, window_params = [{transform_indices = @transform_0, window_bounds = array<i64: 1, 2048, 3>}, {transform_indices = @transform_1, window_bounds = array<i64: 1, 3, 512>}, {transform_indices = @transform_2, window_bounds = array<i64: 1, 512, 256>}, {pipeline_mode = #tpu.pipeline_mode<synchronous>, transform_indices = @transform_3, window_bounds = array<i64: 256, 256>}, {transform_indices = @transform_4, window_bounds = array<i64: 1, 2048, 3>}, {transform_indices = @transform_5, window_bounds = array<i64: 1, 2048, 16>}, {transform_indices = @transform_6, window_bounds = array<i64: 1, 512, 256>}]} {
    %broadcast_in_dim3A = arith.constant 0.000000e+00 : f32
    %broadcast_in_dim3A_0 = vector.broadcast %broadcast_in_dim3A : f32 to vector<2048x512xf32>
    %get3A = arith.constant 0 : index
    %get3A_1 = arith.constant 0 : index
    %get3A_2 = arith.constant 0 : index
    %get3A_3 = vector.load %arg1[%get3A, %get3A_1, %get3A_2] : memref<1x2048x3xf32, #tpu.memory_space<vmem>>, vector<1x2048x1xf32>
    %get3A_4 = vector.shape_cast %get3A_3 : vector<1x2048x1xf32> to vector<2048x1xf32>
    %get3A_5 = arith.constant 0 : index
    %get3A_6 = arith.constant 0 : index
    %get3A_7 = arith.constant 0 : index
    %get3A_8 = vector.load %arg2[%get3A_5, %get3A_6, %get3A_7] : memref<1x3x512xf32, #tpu.memory_space<vmem>>, vector<1x1x512xf32>
    %get3A_9 = vector.shape_cast %get3A_8 : vector<1x1x512xf32> to vector<1x512xf32>
    %sub3A = vector.broadcast %get3A_4 : vector<2048x1xf32> to vector<2048x512xf32>
    %sub3A_10 = vector.broadcast %get3A_9 : vector<1x512xf32> to vector<2048x512xf32>
    %sub3A_11 = arith.subf %sub3A, %sub3A_10 : vector<2048x512xf32>
    %mul3A = arith.mulf %sub3A_11, %sub3A_11 : vector<2048x512xf32>
    %add3A = arith.addf %broadcast_in_dim3A_0, %mul3A : vector<2048x512xf32>
    %get3A_12 = arith.constant 0 : index
    %get3A_13 = arith.constant 0 : index
    %get3A_14 = arith.constant 1 : index
    %get3A_15 = vector.load %arg1[%get3A_12, %get3A_13, %get3A_14] : memref<1x2048x3xf32, #tpu.memory_space<vmem>>, vector<1x2048x1xf32>
    %get3A_16 = vector.shape_cast %get3A_15 : vector<1x2048x1xf32> to vector<2048x1xf32>
    %get3A_17 = arith.constant 0 : index
    %get3A_18 = arith.constant 1 : index
    %get3A_19 = arith.constant 0 : index
    %get3A_20 = vector.load %arg2[%get3A_17, %get3A_18, %get3A_19] : memref<1x3x512xf32, #tpu.memory_space<vmem>>, vector<1x1x512xf32>
    %get3A_21 = vector.shape_cast %get3A_20 : vector<1x1x512xf32> to vector<1x512xf32>
    %sub3A_22 = vector.broadcast %get3A_16 : vector<2048x1xf32> to vector<2048x512xf32>
    %sub3A_23 = vector.broadcast %get3A_21 : vector<1x512xf32> to vector<2048x512xf32>
    %sub3A_24 = arith.subf %sub3A_22, %sub3A_23 : vector<2048x512xf32>
    %mul3A_25 = arith.mulf %sub3A_24, %sub3A_24 : vector<2048x512xf32>
    %add3A_26 = arith.addf %add3A, %mul3A_25 : vector<2048x512xf32>
    %get3A_27 = arith.constant 0 : index
    %get3A_28 = arith.constant 0 : index
    %get3A_29 = arith.constant 2 : index
    %get3A_30 = vector.load %arg1[%get3A_27, %get3A_28, %get3A_29] : memref<1x2048x3xf32, #tpu.memory_space<vmem>>, vector<1x2048x1xf32>
    %get3A_31 = vector.shape_cast %get3A_30 : vector<1x2048x1xf32> to vector<2048x1xf32>
    %get3A_32 = arith.constant 0 : index
    %get3A_33 = arith.constant 2 : index
    %get3A_34 = arith.constant 0 : index
    %get3A_35 = vector.load %arg2[%get3A_32, %get3A_33, %get3A_34] : memref<1x3x512xf32, #tpu.memory_space<vmem>>, vector<1x1x512xf32>
    %get3A_36 = vector.shape_cast %get3A_35 : vector<1x1x512xf32> to vector<1x512xf32>
    %sub3A_37 = vector.broadcast %get3A_31 : vector<2048x1xf32> to vector<2048x512xf32>
    %sub3A_38 = vector.broadcast %get3A_36 : vector<1x512xf32> to vector<2048x512xf32>
    %sub3A_39 = arith.subf %sub3A_37, %sub3A_38 : vector<2048x512xf32>
    %mul3A_40 = arith.mulf %sub3A_39, %sub3A_39 : vector<2048x512xf32>
    %add3A_41 = arith.addf %add3A_26, %mul3A_40 : vector<2048x512xf32>
    %iota3A = tpu.iota {dimensions = array<i32: 1>} : vector<2048x512xi32>
    %bitcast_convert_type3A = tpu.bitcast %add3A_41 : vector<2048x512xf32> -> vector<2048x512xi32>
    %add3A_42 = arith.constant 256 : i32
    %add3A_43 = vector.broadcast %add3A_42 : i32 to vector<2048x512xi32>
    %add3A_44 = arith.addi %bitcast_convert_type3A, %add3A_43 : vector<2048x512xi32>
    %and3A = arith.constant -512 : i32
    %and3A_45 = vector.broadcast %and3A : i32 to vector<2048x512xi32>
    %and3A_46 = arith.andi %add3A_44, %and3A_45 : vector<2048x512xi32>
    %or3A = arith.ori %and3A_46, %iota3A : vector<2048x512xi32>
    %add3A_47 = arith.constant 8388608 : i32
    %add3A_48 = vector.broadcast %add3A_47 : i32 to vector<2048x512xi32>
    %add3A_49 = arith.addi %or3A, %add3A_48 : vector<2048x512xi32>
    %bitcast_convert_type3A_50 = tpu.bitcast %add3A_49 : vector<2048x512xi32> -> vector<2048x512xf32>
    %reduce_min3A = arith.constant dense<0x7F800000> : vector<2048xf32>
    %reduce_min3A_51 = vector.multi_reduction <minimumf>, %bitcast_convert_type3A_50, %reduce_min3A [1] : vector<2048x512xf32> to vector<2048xf32>
    %broadcast_in_dim3A_52 = vector.shape_cast %reduce_min3A_51 : vector<2048xf32> to vector<2048x1xf32>
    %eq3A = vector.broadcast %broadcast_in_dim3A_52 : vector<2048x1xf32> to vector<2048x512xf32>
    %eq3A_53 = arith.cmpf oeq, %bitcast_convert_type3A_50, %eq3A : vector<2048x512xf32>
    %jit3A = arith.constant 0x7F800000 : f32
    %broadcast_in_dim3A_54 = vector.broadcast %jit3A : f32 to vector<2048x512xf32>
    %select_n3A = arith.select %eq3A_53, %broadcast_in_dim3A_54, %bitcast_convert_type3A_50 : vector<2048x512xi1>, vector<2048x512xf32>
    %reduce_min3A_55 = arith.constant dense<0x7F800000> : vector<2048xf32>
    %reduce_min3A_56 = vector.multi_reduction <minimumf>, %select_n3A, %reduce_min3A_55 [1] : vector<2048x512xf32> to vector<2048xf32>
    %broadcast_in_dim3A_57 = vector.shape_cast %reduce_min3A_56 : vector<2048xf32> to vector<2048x1xf32>
    %eq3A_58 = vector.broadcast %broadcast_in_dim3A_57 : vector<2048x1xf32> to vector<2048x512xf32>
    %eq3A_59 = arith.cmpf oeq, %select_n3A, %eq3A_58 : vector<2048x512xf32>
    %jit3A_60 = arith.constant 0x7F800000 : f32
    %broadcast_in_dim3A_61 = vector.broadcast %jit3A_60 : f32 to vector<2048x512xf32>
    %select_n3A_62 = arith.select %eq3A_59, %broadcast_in_dim3A_61, %select_n3A : vector<2048x512xi1>, vector<2048x512xf32>
    %reduce_min3A_63 = arith.constant dense<0x7F800000> : vector<2048xf32>
    %reduce_min3A_64 = vector.multi_reduction <minimumf>, %select_n3A_62, %reduce_min3A_63 [1] : vector<2048x512xf32> to vector<2048xf32>
    %broadcast_in_dim3A_65 = vector.shape_cast %reduce_min3A_64 : vector<2048xf32> to vector<2048x1xf32>
    %bitcast_convert_type3A_66 = tpu.bitcast %broadcast_in_dim3A_52 : vector<2048x1xf32> -> vector<2048x1xi32>
    %sub3A_67 = arith.constant 8388608 : i32
    %sub3A_68 = vector.broadcast %sub3A_67 : i32 to vector<2048x1xi32>
    %sub3A_69 = arith.subi %bitcast_convert_type3A_66, %sub3A_68 : vector<2048x1xi32>
    %and3A_70 = arith.constant 511 : i32
    %and3A_71 = vector.broadcast %and3A_70 : i32 to vector<2048x1xi32>
    %and3A_72 = arith.andi %sub3A_69, %and3A_71 : vector<2048x1xi32>
    %mul3A_73 = arith.constant 512 : i32
    %mul3A_74 = arith.muli %arg0, %mul3A_73 : i32
    %add3A_75 = vector.broadcast %mul3A_74 : i32 to vector<2048x1xi32>
    %add3A_76 = arith.addi %and3A_72, %add3A_75 : vector<2048x1xi32>
    %and3A_77 = arith.constant -512 : i32
    %and3A_78 = vector.broadcast %and3A_77 : i32 to vector<2048x1xi32>
    %and3A_79 = arith.andi %sub3A_69, %and3A_78 : vector<2048x1xi32>
    %bitcast_convert_type3A_80 = tpu.bitcast %and3A_79 : vector<2048x1xi32> -> vector<2048x1xf32>
    %max3A = arith.constant 9.99999968E-21 : f32
    %max3A_81 = vector.broadcast %max3A : f32 to vector<2048x1xf32>
    %max3A_82 = arith.maximumf %bitcast_convert_type3A_80, %max3A_81 : vector<2048x1xf32>
    %rsqrt3A = math.rsqrt %max3A_82 : vector<2048x1xf32>
    %bitcast_convert_type3A_83 = tpu.bitcast %broadcast_in_dim3A_57 : vector<2048x1xf32> -> vector<2048x1xi32>
    %sub3A_84 = arith.constant 8388608 : i32
    %sub3A_85 = vector.broadcast %sub3A_84 : i32 to vector<2048x1xi32>
    %sub3A_86 = arith.subi %bitcast_convert_type3A_83, %sub3A_85 : vector<2048x1xi32>
    %and3A_87 = arith.constant 511 : i32
    %and3A_88 = vector.broadcast %and3A_87 : i32 to vector<2048x1xi32>
    %and3A_89 = arith.andi %sub3A_86, %and3A_88 : vector<2048x1xi32>
    %mul3A_90 = arith.constant 512 : i32
    %mul3A_91 = arith.muli %arg0, %mul3A_90 : i32
    %add3A_92 = vector.broadcast %mul3A_91 : i32 to vector<2048x1xi32>
    %add3A_93 = arith.addi %and3A_89, %add3A_92 : vector<2048x1xi32>
    %and3A_94 = arith.constant -512 : i32
    %and3A_95 = vector.broadcast %and3A_94 : i32 to vector<2048x1xi32>
    %and3A_96 = arith.andi %sub3A_86, %and3A_95 : vector<2048x1xi32>
    %bitcast_convert_type3A_97 = tpu.bitcast %and3A_96 : vector<2048x1xi32> -> vector<2048x1xf32>
    %max3A_98 = arith.constant 9.99999968E-21 : f32
    %max3A_99 = vector.broadcast %max3A_98 : f32 to vector<2048x1xf32>
    %max3A_100 = arith.maximumf %bitcast_convert_type3A_97, %max3A_99 : vector<2048x1xf32>
    %rsqrt3A_101 = math.rsqrt %max3A_100 : vector<2048x1xf32>
    %bitcast_convert_type3A_102 = tpu.bitcast %broadcast_in_dim3A_65 : vector<2048x1xf32> -> vector<2048x1xi32>
    %sub3A_103 = arith.constant 8388608 : i32
    %sub3A_104 = vector.broadcast %sub3A_103 : i32 to vector<2048x1xi32>
    %sub3A_105 = arith.subi %bitcast_convert_type3A_102, %sub3A_104 : vector<2048x1xi32>
    %and3A_106 = arith.constant 511 : i32
    %and3A_107 = vector.broadcast %and3A_106 : i32 to vector<2048x1xi32>
    %and3A_108 = arith.andi %sub3A_105, %and3A_107 : vector<2048x1xi32>
    %mul3A_109 = arith.constant 512 : i32
    %mul3A_110 = arith.muli %arg0, %mul3A_109 : i32
    %add3A_111 = vector.broadcast %mul3A_110 : i32 to vector<2048x1xi32>
    %add3A_112 = arith.addi %and3A_108, %add3A_111 : vector<2048x1xi32>
    %and3A_113 = arith.constant -512 : i32
    %and3A_114 = vector.broadcast %and3A_113 : i32 to vector<2048x1xi32>
    %and3A_115 = arith.andi %sub3A_105, %and3A_114 : vector<2048x1xi32>
    %bitcast_convert_type3A_116 = tpu.bitcast %and3A_115 : vector<2048x1xi32> -> vector<2048x1xf32>
    %max3A_117 = arith.constant 9.99999968E-21 : f32
    %max3A_118 = vector.broadcast %max3A_117 : f32 to vector<2048x1xf32>
    %max3A_119 = arith.maximumf %bitcast_convert_type3A_116, %max3A_118 : vector<2048x1xf32>
    %rsqrt3A_120 = math.rsqrt %max3A_119 : vector<2048x1xf32>
    %add3A_121 = arith.addf %rsqrt3A, %rsqrt3A_101 : vector<2048x1xf32>
    %add3A_122 = arith.addf %add3A_121, %rsqrt3A_120 : vector<2048x1xf32>
    %mul3A_123 = arith.constant 1.00000095 : f32
    %mul3A_124 = vector.broadcast %mul3A_123 : f32 to vector<2048x1xf32>
    %mul3A_125 = arith.mulf %add3A_122, %mul3A_124 : vector<2048x1xf32>
    %div3A = arith.constant 1.000000e+00 : f32
    %div3A_126 = vector.broadcast %div3A : f32 to vector<2048x1xf32>
    %div3A_127 = arith.divf %div3A_126, %mul3A_125 : vector<2048x1xf32>
    %mul3A_128 = arith.mulf %rsqrt3A, %div3A_127 : vector<2048x1xf32>
    %mul3A_129 = arith.mulf %rsqrt3A_101, %div3A_127 : vector<2048x1xf32>
    %mul3A_130 = arith.mulf %rsqrt3A_120, %div3A_127 : vector<2048x1xf32>
    %concatenate3A = tpu.concatenate %add3A_76, %add3A_93, %add3A_112 in 1 : vector<2048x1xi32>, vector<2048x1xi32>, vector<2048x1xi32> -> vector<2048x3xi32>
    %swap3A = arith.constant 0 : index
    %swap3A_131 = arith.constant 0 : index
    %swap3A_132 = arith.constant 0 : index
    %swap3A_133 = vector.load %arg5[%swap3A, %swap3A_131, %swap3A_132] : memref<1x2048x3xi32, #tpu.memory_space<vmem>>, vector<1x2048x3xi32>
    %swap3A_134 = vector.shape_cast %swap3A_133 : vector<1x2048x3xi32> to vector<2048x3xi32>
    %swap3A_135 = vector.shape_cast %concatenate3A : vector<2048x3xi32> to vector<1x2048x3xi32>
    tpu.vector_store %arg5[%swap3A, %swap3A_131, %swap3A_132], %swap3A_135 {strides = array<i32>} : memref<1x2048x3xi32, #tpu.memory_space<vmem>>, vector<1x2048x3xi32>,
    %broadcast_in_dim3A_136 = arith.constant 0.000000e+00 : f32
    %broadcast_in_dim3A_137 = vector.broadcast %broadcast_in_dim3A_136 : f32 to vector<2048x13xf32>
    %concatenate3A_138 = tpu.concatenate %mul3A_128, %mul3A_129, %mul3A_130, %broadcast_in_dim3A_137 in 1 : vector<2048x1xf32>, vector<2048x1xf32>, vector<2048x1xf32>, vector<2048x13xf32> -> vector<2048x16xf32>
    %swap3A_139 = arith.constant 0 : index
    %swap3A_140 = arith.constant 0 : index
    %swap3A_141 = arith.constant 0 : index
    %swap3A_142 = vector.load %arg6[%swap3A_139, %swap3A_140, %swap3A_141] : memref<1x2048x16xf32, #tpu.memory_space<vmem>>, vector<1x2048x16xf32>
    %swap3A_143 = vector.shape_cast %swap3A_142 : vector<1x2048x16xf32> to vector<2048x16xf32>
    %swap3A_144 = vector.shape_cast %concatenate3A_138 : vector<2048x16xf32> to vector<1x2048x16xf32>
    tpu.vector_store %arg6[%swap3A_139, %swap3A_140, %swap3A_141], %swap3A_144 {strides = array<i32>} : memref<1x2048x16xf32, #tpu.memory_space<vmem>>, vector<1x2048x16xf32>,
    %get3A_145 = arith.constant 0 : index
    %get3A_146 = arith.constant 0 : index
    %get3A_147 = arith.constant 0 : index
    %get3A_148 = vector.load %arg3[%get3A_145, %get3A_146, %get3A_147] : memref<1x512x256xf32, #tpu.memory_space<vmem>>, vector<1x512x256xf32>
    %get3A_149 = vector.shape_cast %get3A_148 : vector<1x512x256xf32> to vector<512x256xf32>
    %get3A_150 = arith.constant 0 : index
    %get3A_151 = arith.constant 0 : index
    %get3A_152 = vector.load %arg4[%get3A_150, %get3A_151] : memref<256x256xf32, #tpu.memory_space<vmem>>, vector<256x256xf32>
    %dot_general3A = arith.constant dense<0.000000e+00> : vector<512x256xf32>
    %dot_general3A_153 = tpu.matmul %get3A_149, %get3A_152, %dot_general3A {dimension_numbers = #tpu.dot_dimension_numbers<[1], [0], [0], [1], [0, 0, 1, 1], [], []>, transpose_lhs_hint = false} : vector<512x256xf32>, vector<256x256xf32>, vector<512x256xf32> -> vector<512x256xf32>
    %swap3A_154 = arith.constant 0 : index
    %swap3A_155 = arith.constant 0 : index
    %swap3A_156 = arith.constant 0 : index
    %swap3A_157 = vector.load %arg7[%swap3A_154, %swap3A_155, %swap3A_156] : memref<1x512x256xf32, #tpu.memory_space<vmem>>, vector<1x512x256xf32>
    %swap3A_158 = vector.shape_cast %swap3A_157 : vector<1x512x256xf32> to vector<512x256xf32>
    %swap3A_159 = vector.shape_cast %dot_general3A_153 : vector<512x256xf32> to vector<1x512x256xf32>
    tpu.vector_store %arg7[%swap3A_154, %swap3A_155, %swap3A_156], %swap3A_159 {strides = array<i32>} : memref<1x512x256xf32, #tpu.memory_space<vmem>>, vector<1x512x256xf32>,
    return
  }
  func.func @transform_0(%arg0: i32) -> (i32, i32, i32) {
    %c0_i32 = arith.constant 0 : i32
    %c0_i32_0 = arith.constant 0 : i32
    %c0_i32_1 = arith.constant 0 : i32
    return %arg0, %c0_i32, %c0_i32_0 : i32, i32, i32
  }
  func.func @transform_1(%arg0: i32) -> (i32, i32, i32) {
    %c0_i32 = arith.constant 0 : i32
    %c0_i32_0 = arith.constant 0 : i32
    %c0_i32_1 = arith.constant 0 : i32
    return %arg0, %c0_i32, %c0_i32_0 : i32, i32, i32
  }
  func.func @transform_2(%arg0: i32) -> (i32, i32, i32) {
    %c0_i32 = arith.constant 0 : i32
    %c0_i32_0 = arith.constant 0 : i32
    %c0_i32_1 = arith.constant 0 : i32
    return %arg0, %c0_i32, %c0_i32_0 : i32, i32, i32
  }
  func.func @transform_3(%arg0: i32) -> (i32, i32) {
    %c0_i32 = arith.constant 0 : i32
    %c0_i32_0 = arith.constant 0 : i32
    %c0_i32_1 = arith.constant 0 : i32
    return %c0_i32, %c0_i32_0 : i32, i32
  }
  func.func @transform_4(%arg0: i32) -> (i32, i32, i32) {
    %c0_i32 = arith.constant 0 : i32
    %c0_i32_0 = arith.constant 0 : i32
    %c0_i32_1 = arith.constant 0 : i32
    return %arg0, %c0_i32, %c0_i32_0 : i32, i32, i32
  }
  func.func @transform_5(%arg0: i32) -> (i32, i32, i32) {
    %c0_i32 = arith.constant 0 : i32
    %c0_i32_0 = arith.constant 0 : i32
    %c0_i32_1 = arith.constant 0 : i32
    return %arg0, %c0_i32, %c0_i32_0 : i32, i32, i32
  }
  func.func @transform_6(%arg0: i32) -> (i32, i32, i32) {
    %c0_i32 = arith.constant 0 : i32
    %c0_i32_0 = arith.constant 0 : i32
    %c0_i32_1 = arith.constant 0 : i32
    return %arg0, %c0_i32, %c0_i32_0 : i32, i32, i32
  }
}

module attributes {stable_mosaic.version = 14 : i64} {
  func.func @_mlp_body(%arg0: i32, %arg1: memref<1x2048x256xf32, #tpu.memory_space<vmem>>, %arg2: memref<1x2048x128xf32, #tpu.memory_space<vmem>>, %arg3: memref<128x256xf32, #tpu.memory_space<vmem>>, %arg4: memref<256x128xf32, #tpu.memory_space<vmem>>, %arg5: memref<1x2048x128xf32, #tpu.memory_space<vmem>>) attributes {dimension_semantics = [#tpu.dimension_semantics<arbitrary>], iteration_bounds = array<i64: 8>, scalar_prefetch = 0 : i64, scratch_operands = 0 : i64, tpu.core_type = #tpu.core_type<tc>, window_params = [{transform_indices = @transform_0, window_bounds = array<i64: 1, 2048, 256>}, {transform_indices = @transform_1, window_bounds = array<i64: 1, 2048, 128>}, {pipeline_mode = #tpu.pipeline_mode<synchronous>, transform_indices = @transform_2, window_bounds = array<i64: 128, 256>}, {pipeline_mode = #tpu.pipeline_mode<synchronous>, transform_indices = @transform_3, window_bounds = array<i64: 256, 128>}, {transform_indices = @transform_4, window_bounds = array<i64: 1, 2048, 128>}]} {
    %get3A = arith.constant 0 : index
    %get3A_0 = arith.constant 0 : index
    %get3A_1 = arith.constant 0 : index
    %get3A_2 = vector.load %arg1[%get3A, %get3A_0, %get3A_1] : memref<1x2048x256xf32, #tpu.memory_space<vmem>>, vector<1x2048x256xf32>
    %get3A_3 = vector.shape_cast %get3A_2 : vector<1x2048x256xf32> to vector<2048x256xf32>
    %get3A_4 = arith.constant 0 : index
    %get3A_5 = arith.constant 0 : index
    %get3A_6 = arith.constant 0 : index
    %get3A_7 = vector.load %arg2[%get3A_4, %get3A_5, %get3A_6] : memref<1x2048x128xf32, #tpu.memory_space<vmem>>, vector<1x2048x128xf32>
    %get3A_8 = vector.shape_cast %get3A_7 : vector<1x2048x128xf32> to vector<2048x128xf32>
    %get3A_9 = arith.constant 0 : index
    %get3A_10 = arith.constant 0 : index
    %get3A_11 = vector.load %arg3[%get3A_9, %get3A_10] : memref<128x256xf32, #tpu.memory_space<vmem>>, vector<128x256xf32>
    %dot_general3A = arith.constant dense<0.000000e+00> : vector<2048x256xf32>
    %dot_general3A_12 = tpu.matmul %get3A_8, %get3A_11, %dot_general3A {dimension_numbers = #tpu.dot_dimension_numbers<[1], [0], [0], [1], [0, 0, 1, 1], [], []>, transpose_lhs_hint = false} : vector<2048x128xf32>, vector<128x256xf32>, vector<2048x256xf32> -> vector<2048x256xf32>
    %add3A = arith.addf %get3A_3, %dot_general3A_12 : vector<2048x256xf32>
    %max3A = arith.constant 0.000000e+00 : f32
    %max3A_13 = vector.broadcast %max3A : f32 to vector<2048x256xf32>
    %max3A_14 = arith.maximumf %add3A, %max3A_13 : vector<2048x256xf32>
    %get3A_15 = arith.constant 0 : index
    %get3A_16 = arith.constant 0 : index
    %get3A_17 = vector.load %arg4[%get3A_15, %get3A_16] : memref<256x128xf32, #tpu.memory_space<vmem>>, vector<256x128xf32>
    %dot_general3A_18 = arith.constant dense<0.000000e+00> : vector<2048x128xf32>
    %dot_general3A_19 = tpu.matmul %max3A_14, %get3A_17, %dot_general3A_18 {dimension_numbers = #tpu.dot_dimension_numbers<[1], [0], [0], [1], [0, 0, 1, 1], [], []>, transpose_lhs_hint = false} : vector<2048x256xf32>, vector<256x128xf32>, vector<2048x128xf32> -> vector<2048x128xf32>
    %max3A_20 = arith.constant 0.000000e+00 : f32
    %max3A_21 = vector.broadcast %max3A_20 : f32 to vector<2048x128xf32>
    %max3A_22 = arith.maximumf %dot_general3A_19, %max3A_21 : vector<2048x128xf32>
    %swap3A = arith.constant 0 : index
    %swap3A_23 = arith.constant 0 : index
    %swap3A_24 = arith.constant 0 : index
    %swap3A_25 = vector.load %arg5[%swap3A, %swap3A_23, %swap3A_24] : memref<1x2048x128xf32, #tpu.memory_space<vmem>>, vector<1x2048x128xf32>
    %swap3A_26 = vector.shape_cast %swap3A_25 : vector<1x2048x128xf32> to vector<2048x128xf32>
    %swap3A_27 = vector.shape_cast %max3A_22 : vector<2048x128xf32> to vector<1x2048x128xf32>
    tpu.vector_store %arg5[%swap3A, %swap3A_23, %swap3A_24], %swap3A_27 {strides = array<i32>} : memref<1x2048x128xf32, #tpu.memory_space<vmem>>, vector<1x2048x128xf32>,
    return
  }
  func.func @transform_0(%arg0: i32) -> (i32, i32, i32) {
    %c0_i32 = arith.constant 0 : i32
    %c0_i32_0 = arith.constant 0 : i32
    %c0_i32_1 = arith.constant 0 : i32
    return %arg0, %c0_i32, %c0_i32_0 : i32, i32, i32
  }
  func.func @transform_1(%arg0: i32) -> (i32, i32, i32) {
    %c0_i32 = arith.constant 0 : i32
    %c0_i32_0 = arith.constant 0 : i32
    %c0_i32_1 = arith.constant 0 : i32
    return %arg0, %c0_i32, %c0_i32_0 : i32, i32, i32
  }
  func.func @transform_2(%arg0: i32) -> (i32, i32) {
    %c0_i32 = arith.constant 0 : i32
    %c0_i32_0 = arith.constant 0 : i32
    %c0_i32_1 = arith.constant 0 : i32
    return %c0_i32, %c0_i32_0 : i32, i32
  }
  func.func @transform_3(%arg0: i32) -> (i32, i32) {
    %c0_i32 = arith.constant 0 : i32
    %c0_i32_0 = arith.constant 0 : i32
    %c0_i32_1 = arith.constant 0 : i32
    return %c0_i32, %c0_i32_0 : i32, i32
  }
  func.func @transform_4(%arg0: i32) -> (i32, i32, i32) {
    %c0_i32 = arith.constant 0 : i32
    %c0_i32_0 = arith.constant 0 : i32
    %c0_i32_1 = arith.constant 0 : i32
    return %arg0, %c0_i32, %c0_i32_0 : i32, i32, i32
  }
}

</mosaic_0001>

<sc_bundles>
// kernel: kernel.5.cloned.1.call-start
scs
__scs_entry_jumppad:
0x0: {  	(pc) =	sbr.rel $0x88, $3  }
0x1: {  	(tag) =	ssettag $0x0;
	lr =	simm.s32 $0x1  }
0x2: {  	[smem:$0x3F9B] =	sst lr;
	_ =	strace $0xD0000000  }
0x3: {  	_ = 	snop  }
0x4: {  	_ = 	snop  }
0x5: {  	_ = 	snop  }
0x6: {  	_ = 	snop  }
0x7: {  	_ = 	snop  }
__scs_overlays_trampoline_lowered:
0x8: {  	[smem:$0x3FAA] =	sst s0  }
0x9: {  	[smem:$0x3FAB] =	sst s1  }
0xa: {  	[smem:$0x3FAC] =	sst s2  }
0xb: {  	[smem:$0x3FAD] =	sst s3  }
0xc: {  	[smem:$0x3FAE] =	sst s4  }
0xd: {  	[smem:$0x3FAF] =	sst s5  }
0xe: {  	[smem:$0x3FB0] =	sst s6  }
0xf: {  	[smem:$0x3FB1] =	sst s7  }
0x10: {  	[smem:$0x3FB2] =	sst s8  }
0x11: {  	[smem:$0x3FB3] =	sst s9;
	s0 =	simm.s32 @!p0 $0x0  }
0x12: {  	s1 =	sld [smem:$0x3F99];
	s0 =	simm.s32 @p0 $0x1  }
0x13: {  	[smem:$0x3FB4] =	sst s0;
	s0 =	simm.s32 @!p1 $0x0  }
0x14: {  	s2 =	sld [smem:$0x3F98];
	s0 =	simm.s32 @p1 $0x1  }
0x15: {  	[smem:$0x3FB5] =	sst s0;
	s0 =	simm.s32 @!p2 $0x0  }
0x16: {  	s3 =	sld [smem:$0x3FDB];
	s0 =	simm.s32 @p2 $0x1  }
0x17: {  	s4 =	simm.s32 $0x1BF5;
	[smem:$0x3FB7] =	sst s0  }
0x18: {  	s0 =	sld [smem:$0x3F9A];
	_ =	swait.ge [sflag:s4], $0x0  }
0x19: {  	s7 =	sld [smem:$0x3F9B]  }
0x1a: {  	s8 =	sadd.s32 $0xFFFFE003, lr  }
0x1b: {  	s9 =	sadd.s32 $0xFFFFFEF7, lr;
	s5 =	simm.s32 $0xFFFFFFFF;
	p2 =	slt.u32 s8, $0xFFFFF086  }
0x1c: {  	p1 =	slt.u32 s9, $0xF7A;
	s5 =	simm.s32 @!p2 $0x0  }
0x1d: {  	s5 =	simm.s32 @p1 $0x1;
	p0 =	seq.s32 s7, s2  }
0x1e: {  	s7 =	smul.u32 @!p0 $0xF7A, s2;
	p2 =	seq.s32 @!p0 s5, $0x0  }
0x1f: {  	s9 =	smul.u32 $0xF7A, s1;
	s8 =	simm.s32 @!p0 $0x1BF5;
	p2 =	por !p2, p0  }
0x20: {  	[sflag:s8] =	ssyncset.s32 @!p0 $0xFFFFF086;
	s6 =	sadd.s32 @!p0 s3, s7;
	s7 =	simm.s32 @!p0 $0x108  }
0x21: {  	s3 =	sadd.s32 s3, s9;
	s6 =	sadd.s32 @!p0 $0x88, s6;
	s7 =	simm.s32 @p2 $0x1082  }
0x22: {  	[simem:s7], [sflag:s8] =	dma.local @!p0 [hbm:s6], $0xF7A  }
0x23: {  	s9 =	sor.u32 $0xD0000000, s2;
	s6 =	simm.s32 $0x108;
	_ =	swait.ge @!p0 [sflag:s8], $0x0  }
0x24: {  	s3 =	sadd.s32 $0x88, s3;
	s6 =	simm.s32 @!p1 $0x1082;
	[sflag:s4] =	ssyncset.s32 $0xFFFFF086  }
0x25: {  	[simem:s6], [sflag:s4] =	dma.local [hbm:s3], $0xF7A  }
0x26: {  	[smem:$0x3F9B] =	sst s1;
	(tag) =	ssettag s2;
	_ =	strace s9  }
0x27: {  	s1 =	sld [smem:$0x3FAB]  }
0x28: {  	s2 =	sld [smem:$0x3FAC]  }
0x29: {  	s4 =	sld [smem:$0x3FAE]  }
0x2a: {  	p0 =	seq.s32 s5, $0x0;
	s5 =	sld [smem:$0x3FAF]  }
0x2b: {  	s6 =	sld [smem:$0x3FB0]  }
0x2c: {  	s7 =	sld [smem:$0x3FB1]  }
0x2d: {  	s3 =	simm.s32 $0x108;
	s8 =	sld [smem:$0x3FB2]  }
0x2e: {  	s3 =	simm.s32 @!p0 $0x1082;
	s9 =	sld [smem:$0x3FB3]  }
0x2f: {  	lr =	sadd.s32 s0, s3;
	s0 =	sld [smem:$0x3FAA]  }
0x30: {  	s3 =	sld [smem:$0x3FAD]  }
0x31: {  	[smem:$0x3FB6] =	sst s10  }
0x32: {  	s10 =	sld [smem:$0x3FB4];
	_ =	sdelay $0x3  }
0x33: {  	p0 =	seq.s32 s10, $0x1;
	s10 =	sld [smem:$0x3FB6];
	_ =	sdelay $0x3  }
0x34: {  	[smem:$0x3FB6] =	sst s10  }
0x35: {  	s10 =	sld [smem:$0x3FB5];
	_ =	sdelay $0x3  }
0x36: {  	p1 =	seq.s32 s10, $0x1;
	s10 =	sld [smem:$0x3FB6];
	_ =	sdelay $0x3  }
0x37: {  	[smem:$0x3FB6] =	sst s10  }
0x38: {  	s10 =	sld [smem:$0x3FB7]  }
0x39: {  	_ = 	snop;
	(pc) =	sbr.ind lr, $3  }
0x3a: {  	_ = 	snop  }
0x3b: {  	_ = 	snop  }
0x3c: {  	p2 =	seq.s32 s10, $0x1;
	s10 =	sld [smem:$0x3FB6]  }
0x3d: {  	_ =	shalt  }
0x3e: {  	_ =	shalt  }
0x3f: {  	_ =	shalt  }
0x40: {  	_ =	shalt  }
0x41: {  	_ =	shalt  }
0x42: {  	_ =	shalt  }
0x43: {  	_ =	shalt  }
0x44: {  	_ =	shalt  }
0x45: {  	_ =	shalt  }
0x46: {  	_ =	shalt  }
0x47: {  	_ =	shalt  }
0x48: {  	_ =	shalt  }
0x49: {  	_ =	shalt  }
0x4a: {  	_ =	shalt  }
0x4b: {  	_ =	shalt  }
0x4c: {  	_ =	shalt  }
0x4d: {  	_ =	shalt  }
0x4e: {  	_ =	shalt  }
0x4f: {  	_ =	shalt  }
0x50: {  	_ =	shalt  }
0x51: {  	_ =	shalt  }
0x52: {  	_ =	shalt  }
0x53: {  	_ =	shalt  }
0x54: {  	_ =	shalt  }
0x55: {  	_ =	shalt  }
0x56: {  	_ =	shalt  }
0x57: {  	_ =	shalt  }
0x58: {  	_ =	shalt  }
0x59: {  	_ =	shalt  }
0x5a: {  	_ =	shalt  }
0x5b: {  	_ =	shalt  }
0x5c: {  	_ =	shalt  }
0x5d: {  	_ =	shalt  }
0x5e: {  	_ =	shalt  }
0x5f: {  	_ =	shalt  }
0x60: {  	_ =	shalt  }
0x61: {  	_ =	shalt  }
0x62: {  	_ =	shalt  }
0x63: {  	_ =	shalt  }
0x64: {  	_ =	shalt  }
0x65: {  	_ =	shalt  }
0x66: {  	_ =	shalt  }
0x67: {  	_ =	shalt  }
0x68: {  	_ =	shalt  }
0x69: {  	_ =	shalt  }
0x6a: {  	_ =	shalt  }
0x6b: {  	_ =	shalt  }
0x6c: {  	_ =	shalt  }
0x6d: {  	_ =	shalt  }
0x6e: {  	_ =	shalt  }
0x6f: {  	_ =	shalt  }
0x70: {  	_ =	shalt  }
0x71: {  	_ =	shalt  }
0x72: {  	_ =	shalt  }
0x73: {  	_ =	shalt  }
0x74: {  	_ =	shalt  }
0x75: {  	_ =	shalt  }
0x76: {  	_ =	shalt  }
0x77: {  	_ =	shalt  }
0x78: {  	_ =	shalt  }
0x79: {  	_ =	shalt  }
0x7a: {  	_ =	shalt  }
0x7b: {  	_ =	shalt  }
0x7c: {  	_ =	shalt  }
0x7d: {  	_ =	shalt  }
0x7e: {  	_ =	shalt  }
0x7f: {  	_ =	shalt  }
0x80: {  	_ =	shalt  }
0x81: {  	_ =	shalt  }
0x82: {  	_ =	shalt  }
0x83: {  	_ =	shalt  }
0x84: {  	_ =	shalt  }
0x85: {  	_ =	shalt  }
0x86: {  	_ =	shalt  }
0x87: {  	_ =	shalt  }
.Lfunc_end0:
.L_simem_size_0:
called_computation_lowered:
.L_overlay_start_0:
0x88: {  	s2 =	sld [smem:$0x3FD9]  }
0x89: {  	s3 =	sld [smem:$0x3FFE];
	_ =	sdelay $0x1  }
0x8a: {  	s1 =	srdreg.scid  }
0x8b: {  	s0 =	sand.u32 $0x1, s1  }
0x8c: {  	s17 =	sshll.u32 s0, $0xA;
	s2 =	sadd.s32 s3, s2  }
0x8d: {  	s2 =	sadd.s32 s2, s17  }
0x8e: {  	[smem:$0x3FC2] =	sst s2  }
0x8f: {  	_ = 	snop  }
0x90: {  	s2 =	sld [smem:$0x3FD0];
	(tm) =	ssettm $0x1  }
0x91: {  	s18 =	sld [smem:$0x3FFB];
	_ =	sdelay $0x3  }
0x92: {  	_ =	strace s18  }
0x93: {  	s3 =	sld [smem:$0x3FFC];
	_ =	sdelay $0x3  }
0x94: {  	_ =	strace s3  }
0x95: {  	s3 =	sld [smem:$0x3FFD];
	_ =	sdelay $0x3  }
0x96: {  	_ =	strace s3  }
0x97: {  	_ =	strace $0x8FFFFFFF  }
0x98: {  	s19 =	sld [smem:$0x3FDB];
	_ =	sdelay $0x1  }
0x99: {  	s4 =	simm.s32 $_scs_section_size  }
0x9a: {  	s5 =	simm.s32 $_size__tile_overlayer_lowered;
	s6 =	simm.s32 $_tile_overlayer_lowered  }
0x9b: {  	s22 =	simm.s32 $0x1BFF;
	s21 =	sshll.u32 s6, $0x1;
	s3 =	sadd.s32 s4, s19  }
0x9c: {  	s7 =	simm.s32 $0x0;
	s20 =	sshll.u32 s5, $0x1;
	s5 =	sadd.s32 s21, s3  }
0x9d: {  	[timem:s7], [sflag:s22] =	dma.local [hbm:s5], s20  }
0x9e: {  	_ =	swait.ge [sflag:s22], s20  }
0x9f: {  	s4 =	ssub.s32 $0x0, s20;
	[sflag:s22] =	ssyncset.done $0x0  }
0xa0: {  	[sflag:s22] =	ssyncadd.s32 s4;
	_ =	sdelay $0x1  }
0xa1: {  	s23 =	simm.s32 $0x1B8B  }
0xa2: {  	_ =	swait.ge [sflag:s23], $0x1  }
0xa3: {  	[sflag:s23] =	ssyncset.done $0x0  }
0xa4: {  	s25 =	simm.s32 $0x1B8E;
	s24 =	sld [smem:$0x3FFE];
	[sflag:s23] =	ssyncadd.s32 $0xFFFFFFFF  }
0xa5: {  	s26 =	simm.s32 $execute0_lowered;
	[smem:$0x3FD2] =	sst s25  }
0xa6: {  	s5 =	sshll.u32 s26, $0x1;
	_ =	strace $0x80000046;
	[dreg:$0x1] =	wrdreg $0xFFFFFFFF  }
0xa7: {  	s28 =	simm.s32 $_size_execute0_lowered;
	s3 =	sadd.s32 s3, s5;
	[dreg:$0x0] =	wrdreg $0x0  }
0xa8: {  	s5 =	sshll.u32 s28, $0x1;
	[dreg:$0x2] =	wrdreg s3  }
0xa9: {  	[dreg:$0x3] =	wrdreg s5  }
0xaa: {  	[dreg:$0x4] =	wrdreg $0xC0  }
0xab: {  	_ =	task [dreg:s7], $0x5FFFF  }
0xac: {  	[dreg:$0x1] =	wrdreg $0xFFFFFFFF  }
0xad: {  	[dreg:$0x0] =	wrdreg $0x60  }
0xae: {  	[dreg:$0x2] =	wrdreg s24  }
0xaf: {  	[dreg:$0x3] =	wrdreg s2  }
0xb0: {  	[dreg:$0x4] =	wrdreg $0x9  }
0xb1: {  	_ =	task.clear_ibuf [dreg:s7], $0x5FFFF;
	_ =	strace $0x90000046  }
0xb2: {  	s29 =	simm.s32 $0x9;
	_ =	strace $0x80000048  }
0xb3: {  	_ =	swait.ge [sflag:s29], $0x1  }
0xb4: {  	[sflag:s29] =	ssyncadd.s32 $0xFFFFFFFF  }
0xb5: {  	_ =	strace $0x90000048  }
0xb6: {  	_ =	sfence  }
0xb7: {  	s30 =	sld [smem:$0x0];
	_ =	sdelay $0x2  }
0xb8: {  	s31 =	sshll.u32 s1, $0xD;
	s1 =	sshrl.u32 s1, $0x2  }
0xb9: {  	s3 =	sand.u32 $0x4000, s31;
	s1 =	sadd.s32 s1, s30  }
0xba: {  	s0 =	sor.u32 s3, s0;
	s1 =	sshll.u32 s1, $0x11  }
0xbb: {  	s0 =	sor.u32 s1, s0  }
0xbc: {  	s0 =	sadd.s32 $0x8F2B, s0  }
0xbd: {  	[sflag:s0] =	ssyncadd.remote.s32 $0x1  }
0xbe: {  	_ =	sfence.sel $0xFFFF  }
0xbf: {  	[dreg:$0x0] =	wrdreg $0xFFFFFFFF;
	(pc) =	sbr.abs _section_cstart, $3  }
0xc0: {  	[dreg:$0x1] =	wrdreg $0xFFFFFFFF  }
0xc1: {  	_ =	task.clear_ibuf [dreg:s7], $0x2FFFF;
	_ =	strace $0x9FFFFFFF  }
0xc2: {  	(tm) =	ssettm $0x7FFFFFFF  }
0xc3: {  	_ =	shalt  }
tec
execute0_lowered:
.L_overlay_start_1:
0x0: {  	(tag) =	ssettag $0x1  }
0x1: {  	s0 =	rddreg [dreg:$0x0];
	s1 =	srdreg.scid  }
0x2: {  	s3 =	stileid.u32;
	s2 =	rddreg [dreg:$0x1]  }
0x3: {  	s14 =	simm.s32 $0x12600;
	s15 =	simm.s32 $0x12E00;
	s16 =	simm.s32 $0x13600  }
0x4: {  	s17 =	simm.s32 $0x13E00;
	s18 =	simm.s32 $0x14600;
	s19 =	simm.s32 $0x14E00  }
0x5: {  	s20 =	simm.s32 $0x15600;
	s21 =	simm.s32 $0x15E00;
	s22 =	simm.s32 $0x1  }
0x6: {  	s23 =	simm.s32 $0x16600;
	s24 =	simm.s32 $0x2;
	s25 =	simm.s32 $0x4  }
0x7: {  	s1 =	sand.u32 $0x1, s1;
	s4 =	sshll.u32 s3, $0x1;
	s3 =	simm.s32 $0x0  }
0x8: {  	s5 =	sor.u32 s1, s4;
	[smem:$0x7FF] =	sst s3;
	s1 =	ssub.s32 $0x2, s1  }
0x9: {  	s4 =	smul.u32 $0xC0, s5;
	_ =	strace $0x80000047;
	s28 =	sshll.u32 s5, $0xD  }
.Ltmp0:
0xa: {  	s7 =	sshrl.u32 s1, $0x1;
	s8 =	sadd.s32 s28, s0;
	(pc) =	sbr.rel .LBB2_1-.Ltmp0, $4  }
0xb: {  	s29 =	ssub.s32 s1, s7;
	s6 =	sadd.s32 s4, s0;
	s31 =	sadd.s32 $0x1800, s8  }
0xc: {  	v2 =	vlaneseq.u32;
	s4 =	sadd.s32 $0x43000, s0;
	s0 =	smax.u32 s29, $0x1;
	[dreg:$0x4] =	wrdreg s31  }
0xd: {  	vm0 =	vmmov $0xffff;
	s26 =	simm.s32 $0x17600;
	v1 =	vshrl.u32 v2, $0x3;
	s30 =	sadd.s32 $0x41800, s6;
	[dreg:$0x5] =	wrdreg s0  }
0xe: {  	v0 =	vand.u32 $0x7, v2;
	v2 =	vor.u32 $0x8, v2;
	v1 =	vmul.u32 $0x8, v1;
	s5 =	sshll.u32 s5, $0x9;
	s1 =	simm.s32 $0x0;
	[dreg:$0x3] =	wrdreg s30  }
.LBB2_12:
0xf: {  	s0 =	simm.s32 $0x3  }
0x10: {  	_ =	swait.ge [sflag:s0], $0x1000  }
0x11: {  	[sflag:s0] =	ssyncset.done $0x0  }
0x12: {  	[sflag:s0] =	ssyncadd.s32 $0xFFFFF000  }
0x13: {  	_ =	swait.ge [sflag:s25], $0x1000  }
0x14: {  	s1 =	rddreg [dreg:$0x6]  }
0x15: {  	s31 =	rddreg [dreg:$0x5];
	s1 =	sadd.s32 $0x1, s1  }
0x16: {  	p0 =	sne.s32 s1, s31  }
.Ltmp1:
0x17: {  	_ = 	snop;
	(pc) =	sbr.rel @!p0 .LBB2_13-.Ltmp1, $3  }
0x18: {  	_ =	sdelay $0x1  }
0x19: {  	[sflag:s25] =	ssyncset.done $0x0  }
0x1a: {  	[sflag:s25] =	ssyncadd.s32 $0xFFFFF000  }
.LBB2_1:
0x1b: {  	[dreg:$0x6] =	wrdreg s1  }
0x1c: {  	s0 =	rddreg [dreg:$0x3];
	s10 =	simm.s32 $0x5  }
0x1d: {  	[tilespmem:s3], [sflag:$0x5] =	stream.linear.gather [hbm4b:s0+s3], $0x600, $0x38;
	[tilespmem:$0x18600] =	vst v63  }
0x1e: {  	_ =	swait.ge [sflag:s10], $0x600  }
0x1f: {  	[sflag:s10] =	ssyncset.done $0x0  }
0x20: {  	s30 =	simm.s32 $0x600;
	s11 =	rddreg [dreg:$0x4];
	[sflag:s10] =	ssyncadd.s32 $0xFFFFFA00  }
0x21: {  	[tilespmem:s30], [sflag:$0x5] =	stream.linear.gather [hbm4b:s11+s3], $0x10000, $0x38;
	[tilespmem:$0x18600] =	vst v63  }
0x22: {  	_ =	swait.ge [sflag:s10], $0x10000  }
0x23: {  	[sflag:s10] =	ssyncset.done $0x0  }
0x24: {  	[sflag:s10] =	ssyncadd.s32 $0xFFFF0000  }
0x25: {  	v3 =	vld [tilespmem:$0x0];
	_ =	sdelay $0x4  }
0x26: {  	v4 =	vshll.u32 v3, $0x1  }
0x27: {  	v3 =	vand.u32 $0x7, v3;
	v4 =	vand.u32 $0xFFFFFFF0, v4  }
0x28: {  	v3 =	vor.u32 v3, v4  }
0x29: {  	v4 =	vperm.xlane v3, v0;
	_ =	sdelay $0x1  }
0x2a: {  	v3 =	vperm.xlane v3, v2;
	v4 =	vadd.s32 v1, v4;
	_ =	sdelay $0x1  }
0x2b: {  	v3 =	vadd.s32 v1, v3;
	_ =	sdelay $0x1  }
0x2c: {  	s12 =	simm.s32 $0x10600  }
0x2d: {  	[tilespmem:s12], [sflag:$0x1] =	stream.indirect_vreg.gather [hbm4b:s2+s3], $0x80, v4, vm0, $0xb8;
	[tilespmem:$0x18600] =	vst v63  }
0x2e: {  	s13 =	simm.s32 $0x10E00  }
0x2f: {  	[tilespmem:s13], [sflag:$0x1] =	stream.indirect_vreg.gather [hbm4b:s2+s3], $0x80, v3, vm0, $0xb8;
	[tilespmem:$0x18600] =	vst v63  }
0x30: {  	v3 =	vld [tilespmem:$0x10];
	_ =	sdelay $0x4  }
0x31: {  	v59 =	vshll.u32 v3, $0x1  }
0x32: {  	v3 =	vand.u32 $0x7, v3;
	v4 =	vand.u32 $0xFFFFFFF0, v59  }
0x33: {  	v3 =	vor.u32 v3, v4  }
0x34: {  	v4 =	vperm.xlane v3, v0;
	_ =	sdelay $0x1  }
0x35: {  	v3 =	vperm.xlane v3, v2;
	v4 =	vadd.s32 v1, v4;
	_ =	sdelay $0x1  }
0x36: {  	v3 =	vadd.s32 v1, v3;
	_ =	sdelay $0x1  }
0x37: {  	s28 =	simm.s32 $0x11600  }
0x38: {  	[tilespmem:s28], [sflag:$0x1] =	stream.indirect_vreg.gather [hbm4b:s2+s3], $0x80, v4, vm0, $0xb8;
	[tilespmem:$0x18600] =	vst v63  }
0x39: {  	s29 =	simm.s32 $0x11E00  }
0x3a: {  	[tilespmem:s29], [sflag:$0x1] =	stream.indirect_vreg.gather [hbm4b:s2+s3], $0x80, v3, vm0, $0xb8;
	[tilespmem:$0x18600] =	vst v63  }
0x3b: {  	v3 =	vld [tilespmem:$0x20];
	_ =	sdelay $0x4  }
0x3c: {  	v60 =	vshll.u32 v3, $0x1  }
0x3d: {  	v3 =	vand.u32 $0x7, v3;
	v4 =	vand.u32 $0xFFFFFFF0, v60  }
0x3e: {  	v3 =	vor.u32 v3, v4  }
0x3f: {  	v4 =	vperm.xlane v3, v0;
	_ =	sdelay $0x1  }
0x40: {  	v3 =	vperm.xlane v3, v2;
	v4 =	vadd.s32 v1, v4;
	_ =	sdelay $0x1  }
0x41: {  	v3 =	vadd.s32 v1, v3;
	_ =	sdelay $0x2  }
0x42: {  	[tilespmem:s14], [sflag:$0x1] =	stream.indirect_vreg.gather [hbm4b:s2+s3], $0x80, v4, vm0, $0xb8;
	[tilespmem:$0x18600] =	vst v63  }
0x43: {  	_ = 	snop  }
0x44: {  	[tilespmem:s15], [sflag:$0x1] =	stream.indirect_vreg.gather [hbm4b:s2+s3], $0x80, v3, vm0, $0xb8;
	[tilespmem:$0x18600] =	vst v63  }
0x45: {  	v3 =	vld [tilespmem:$0x30];
	_ =	sdelay $0x4  }
0x46: {  	v61 =	vshll.u32 v3, $0x1  }
0x47: {  	v3 =	vand.u32 $0x7, v3;
	v4 =	vand.u32 $0xFFFFFFF0, v61  }
0x48: {  	v3 =	vor.u32 v3, v4  }
0x49: {  	v4 =	vperm.xlane v3, v0;
	_ =	sdelay $0x1  }
0x4a: {  	v3 =	vperm.xlane v3, v2;
	v4 =	vadd.s32 v1, v4;
	_ =	sdelay $0x1  }
0x4b: {  	v3 =	vadd.s32 v1, v3;
	_ =	sdelay $0x2  }
0x4c: {  	[tilespmem:s16], [sflag:$0x2] =	stream.indirect_vreg.gather [hbm4b:s2+s3], $0x80, v4, vm0, $0xb8;
	[tilespmem:$0x18600] =	vst v63  }
0x4d: {  	_ = 	snop  }
0x4e: {  	[tilespmem:s17], [sflag:$0x2] =	stream.indirect_vreg.gather [hbm4b:s2+s3], $0x80, v3, vm0, $0xb8;
	[tilespmem:$0x18600] =	vst v63  }
0x4f: {  	v3 =	vld [tilespmem:$0x40];
	_ =	sdelay $0x4  }
0x50: {  	v62 =	vshll.u32 v3, $0x1  }
0x51: {  	v3 =	vand.u32 $0x7, v3;
	v4 =	vand.u32 $0xFFFFFFF0, v62  }
0x52: {  	v3 =	vor.u32 v3, v4  }
0x53: {  	v4 =	vperm.xlane v3, v0;
	_ =	sdelay $0x1  }
0x54: {  	v3 =	vperm.xlane v3, v2;
	v4 =	vadd.s32 v1, v4;
	_ =	sdelay $0x1  }
0x55: {  	v3 =	vadd.s32 v1, v3;
	_ =	sdelay $0x2  }
0x56: {  	[tilespmem:s18], [sflag:$0x2] =	stream.indirect_vreg.gather [hbm4b:s2+s3], $0x80, v4, vm0, $0xb8;
	[tilespmem:$0x18600] =	vst v63  }
0x57: {  	_ = 	snop  }
0x58: {  	[tilespmem:s19], [sflag:$0x2] =	stream.indirect_vreg.gather [hbm4b:s2+s3], $0x80, v3, vm0, $0xb8;
	[tilespmem:$0x18600] =	vst v63  }
0x59: {  	v3 =	vld [tilespmem:$0x50];
	_ =	sdelay $0x4  }
0x5a: {  	v63 =	vshll.u32 v3, $0x1  }
0x5b: {  	v3 =	vand.u32 $0x7, v3;
	v4 =	vand.u32 $0xFFFFFFF0, v63  }
0x5c: {  	v3 =	vor.u32 v3, v4  }
0x5d: {  	v4 =	vperm.xlane v3, v0;
	_ =	sdelay $0x1  }
0x5e: {  	v3 =	vperm.xlane v3, v2;
	v4 =	vadd.s32 v1, v4;
	_ =	sdelay $0x1  }
0x5f: {  	v3 =	vadd.s32 v1, v3;
	_ =	sdelay $0x2  }
0x60: {  	[tilespmem:s20], [sflag:$0x2] =	stream.indirect_vreg.gather [hbm4b:s2+s3], $0x80, v4, vm0, $0xb8;
	[tilespmem:$0x18600] =	vst v63  }
0x61: {  	s31 =	simm.s32 $0xE00;
	s1 =	simm.s32 $0x0  }
0x62: {  	[tilespmem:s21], [sflag:$0x2] =	stream.indirect_vreg.gather [hbm4b:s2+s3], $0x80, v3, vm0, $0xb8;
	[tilespmem:$0x18600] =	vst v63  }
.LBB2_2:
0x63: {  	_ =	swait.ge [sflag:s22], $0x3000  }
0x64: {  	p0 =	seq.s32 s1, $0x0;
	[sflag:s22] =	ssyncset.done $0x0  }
0x65: {  	s0 =	simm.s32 @!p0 $0x3;
	[sflag:s22] =	ssyncadd.s32 $0xFFFFD000  }
0x66: {  	s6 =	simm.s32 $0x0;
	_ =	swait.ge @!p0 [sflag:s0], $0x1000  }
0x67: {  	s10 =	simm.s32 $0x100;
	s7 =	simm.s32 $0x80;
	[sflag:s0] =	ssyncset.done @!p0 $0x0  }
0x68: {  	s8 =	sand.u32 $0x3800, s6;
	s9 =	sand.u32 $0x380, s6;
	[sflag:s0] =	ssyncadd.s32 @!p0 $0xFFFFF000  }
0x69: {  	s7 =	sand.u32 $0x380, s7;
	s8 =	sor.u32 s9, s8;
	s0 =	sand.u32 $0x7800, s10;
	v3 =	vld [tilespmem:s30+$0x0]  }
0x6a: {  	s11 =	simm.s32 $0x200;
	s12 =	simm.s32 $0x100;
	s0 =	sor.u32 s7, s0;
	v6 =	vld [tilespmem:s8+$0x10600]  }
0x6b: {  	s9 =	sand.u32 $0x380, s12;
	s7 =	sand.u32 $0x7800, s11;
	v7 =	vld [tilespmem:s0+$0x10600]  }
0x6c: {  	s9 =	sor.u32 s9, s7  }
0x6d: {  	v8 =	vld [tilespmem:s9+$0x10600]  }
0x6e: {  	v5 =	vbroadcast v3, $0x0;
	v4 =	vbroadcast v3, $0x1  }
0x6f: {  	v3 =	vbroadcast v3, $0x2  }
0x70: {  	v6 =	vmul.f32 v5, v6;
	v7 =	vmul.f32 v7, v4;
	_ =	sdelay $0x1  }
0x71: {  	v6 =	vadd.f32 v7, v6;
	v7 =	vmul.f32 v8, v3;
	_ =	sdelay $0x1  }
0x72: {  	s13 =	sand.u32 $0x800, s6;
	s10 =	sand.u32 $0x380, s6;
	v6 =	vadd.f32 v7, v6  }
0x73: {  	s10 =	sor.u32 s10, s13  }
0x74: {  	s28 =	sadd.s32 $0x10600, s8;
	[tilespmem:s10+$0x16600] =	vst v6  }
0x75: {  	s7 =	sadd.s32 $0x10600, s0;
	v6 =	vld [tilespmem:s28+$0x10]  }
0x76: {  	v7 =	vld [tilespmem:s7+$0x10]  }
0x77: {  	s9 =	sadd.s32 $0x10600, s9  }
0x78: {  	v8 =	vld [tilespmem:s9+$0x10];
	_ =	sdelay $0x2  }
0x79: {  	v6 =	vmul.f32 v6, v5;
	v7 =	vmul.f32 v7, v4;
	_ =	sdelay $0x1  }
0x7a: {  	v6 =	vadd.f32 v7, v6;
	v7 =	vmul.f32 v8, v3;
	_ =	sdelay $0x1  }
0x7b: {  	v6 =	vadd.f32 v7, v6  }
0x7c: {  	s8 =	sadd.s32 $0x16600, s10  }
0x7d: {  	[tilespmem:s8+$0x10] =	vst v6  }
0x7e: {  	v6 =	vld [tilespmem:s28+$0x20]  }
0x7f: {  	v7 =	vld [tilespmem:s7+$0x20];
	_ =	sdelay $0x1  }
0x80: {  	v8 =	vld [tilespmem:s9+$0x20];
	_ =	sdelay $0x2  }
0x81: {  	v6 =	vmul.f32 v6, v5;
	v7 =	vmul.f32 v7, v4;
	_ =	sdelay $0x1  }
0x82: {  	v8 =	vmul.f32 v8, v3;
	v6 =	vadd.f32 v7, v6;
	_ =	sdelay $0x1  }
0x83: {  	v6 =	vadd.f32 v8, v6;
	_ =	sdelay $0x1  }
0x84: {  	[tilespmem:s8+$0x20] =	vst v6  }
0x85: {  	v6 =	vld [tilespmem:s28+$0x30]  }
0x86: {  	v7 =	vld [tilespmem:s7+$0x30];
	_ =	sdelay $0x1  }
0x87: {  	v8 =	vld [tilespmem:s9+$0x30];
	_ =	sdelay $0x2  }
0x88: {  	v6 =	vmul.f32 v6, v5;
	v7 =	vmul.f32 v7, v4;
	_ =	sdelay $0x1  }
0x89: {  	v6 =	vadd.f32 v7, v6;
	v7 =	vmul.f32 v8, v3;
	_ =	sdelay $0x1  }
0x8a: {  	v6 =	vadd.f32 v7, v6;
	_ =	sdelay $0x1  }
0x8b: {  	[tilespmem:s8+$0x30] =	vst v6  }
0x8c: {  	v6 =	vld [tilespmem:s28+$0x40]  }
0x8d: {  	v7 =	vld [tilespmem:s7+$0x40];
	_ =	sdelay $0x1  }
0x8e: {  	v8 =	vld [tilespmem:s9+$0x40];
	_ =	sdelay $0x2  }
0x8f: {  	v6 =	vmul.f32 v6, v5;
	v7 =	vmul.f32 v7, v4;
	_ =	sdelay $0x1  }
0x90: {  	v8 =	vmul.f32 v8, v3;
	v6 =	vadd.f32 v7, v6;
	_ =	sdelay $0x1  }
0x91: {  	v6 =	vadd.f32 v8, v6;
	_ =	sdelay $0x1  }
0x92: {  	[tilespmem:s8+$0x40] =	vst v6  }
0x93: {  	v6 =	vld [tilespmem:s28+$0x50]  }
0x94: {  	v7 =	vld [tilespmem:s7+$0x50];
	_ =	sdelay $0x1  }
0x95: {  	v8 =	vld [tilespmem:s9+$0x50];
	_ =	sdelay $0x2  }
0x96: {  	v6 =	vmul.f32 v6, v5;
	v7 =	vmul.f32 v7, v4;
	_ =	sdelay $0x1  }
0x97: {  	v8 =	vmul.f32 v8, v3;
	v6 =	vadd.f32 v7, v6;
	_ =	sdelay $0x1  }
0x98: {  	v6 =	vadd.f32 v8, v6;
	_ =	sdelay $0x1  }
0x99: {  	[tilespmem:s8+$0x50] =	vst v6  }
0x9a: {  	v6 =	vld [tilespmem:s7+$0x60]  }
0x9b: {  	v7 =	vld [tilespmem:s28+$0x60];
	_ =	sdelay $0x1  }
0x9c: {  	v8 =	vld [tilespmem:s9+$0x60];
	_ =	sdelay $0x2  }
0x9d: {  	v6 =	vmul.f32 v6, v4;
	v7 =	vmul.f32 v7, v5;
	_ =	sdelay $0x1  }
0x9e: {  	v8 =	vmul.f32 v8, v3;
	v6 =	vadd.f32 v6, v7;
	_ =	sdelay $0x1  }
0x9f: {  	v6 =	vadd.f32 v8, v6;
	_ =	sdelay $0x1  }
0xa0: {  	[tilespmem:s8+$0x60] =	vst v6  }
0xa1: {  	v6 =	vld [tilespmem:s28+$0x70]  }
0xa2: {  	v7 =	vld [tilespmem:s7+$0x70];
	_ =	sdelay $0x1  }
0xa3: {  	v8 =	vld [tilespmem:s9+$0x70];
	_ =	sdelay $0x2  }
0xa4: {  	v6 =	vmul.f32 v6, v5;
	v7 =	vmul.f32 v7, v4;
	_ =	sdelay $0x1  }
0xa5: {  	v8 =	vmul.f32 v8, v3;
	v6 =	vadd.f32 v7, v6;
	_ =	sdelay $0x1  }
0xa6: {  	v6 =	vadd.f32 v8, v6;
	_ =	sdelay $0x1  }
0xa7: {  	[tilespmem:s8+$0x70] =	vst v6  }
0xa8: {  	v6 =	vld [tilespmem:s28+$0x400]  }
0xa9: {  	v7 =	vld [tilespmem:s7+$0x400];
	_ =	sdelay $0x1  }
0xaa: {  	v8 =	vld [tilespmem:s9+$0x400];
	_ =	sdelay $0x2  }
0xab: {  	v6 =	vmul.f32 v6, v5;
	v7 =	vmul.f32 v7, v4;
	_ =	sdelay $0x1  }
0xac: {  	v8 =	vmul.f32 v8, v3;
	v6 =	vadd.f32 v7, v6;
	_ =	sdelay $0x1  }
0xad: {  	v6 =	vadd.f32 v8, v6;
	_ =	sdelay $0x1  }
0xae: {  	[tilespmem:s8+$0x400] =	vst v6  }
0xaf: {  	v6 =	vld [tilespmem:s28+$0x410]  }
0xb0: {  	v7 =	vld [tilespmem:s7+$0x410];
	_ =	sdelay $0x1  }
0xb1: {  	v8 =	vld [tilespmem:s9+$0x410];
	_ =	sdelay $0x2  }
0xb2: {  	v6 =	vmul.f32 v6, v5;
	v7 =	vmul.f32 v7, v4;
	_ =	sdelay $0x1  }
0xb3: {  	v8 =	vmul.f32 v8, v3;
	v6 =	vadd.f32 v7, v6;
	_ =	sdelay $0x1  }
0xb4: {  	v6 =	vadd.f32 v8, v6;
	_ =	sdelay $0x1  }
0xb5: {  	[tilespmem:s8+$0x410] =	vst v6  }
0xb6: {  	v6 =	vld [tilespmem:s28+$0x420]  }
0xb7: {  	v7 =	vld [tilespmem:s7+$0x420];
	_ =	sdelay $0x1  }
0xb8: {  	v8 =	vld [tilespmem:s9+$0x420];
	_ =	sdelay $0x2  }
0xb9: {  	v6 =	vmul.f32 v6, v5;
	v7 =	vmul.f32 v7, v4;
	_ =	sdelay $0x1  }
0xba: {  	v8 =	vmul.f32 v8, v3;
	v6 =	vadd.f32 v7, v6;
	_ =	sdelay $0x1  }
0xbb: {  	v6 =	vadd.f32 v8, v6;
	_ =	sdelay $0x1  }
0xbc: {  	[tilespmem:s8+$0x420] =	vst v6  }
0xbd: {  	v6 =	vld [tilespmem:s28+$0x430]  }
0xbe: {  	v7 =	vld [tilespmem:s7+$0x430];
	_ =	sdelay $0x1  }
0xbf: {  	v8 =	vld [tilespmem:s9+$0x430];
	_ =	sdelay $0x2  }
0xc0: {  	v6 =	vmul.f32 v6, v5;
	v7 =	vmul.f32 v7, v4;
	_ =	sdelay $0x1  }
0xc1: {  	v8 =	vmul.f32 v8, v3;
	v6 =	vadd.f32 v7, v6;
	_ =	sdelay $0x1  }
0xc2: {  	v6 =	vadd.f32 v8, v6;
	_ =	sdelay $0x1  }
0xc3: {  	[tilespmem:s8+$0x430] =	vst v6  }
0xc4: {  	v6 =	vld [tilespmem:s7+$0x440]  }
0xc5: {  	v7 =	vld [tilespmem:s28+$0x440];
	_ =	sdelay $0x1  }
0xc6: {  	v8 =	vld [tilespmem:s9+$0x440];
	_ =	sdelay $0x2  }
0xc7: {  	v6 =	vmul.f32 v6, v4;
	v7 =	vmul.f32 v7, v5;
	_ =	sdelay $0x1  }
0xc8: {  	v8 =	vmul.f32 v8, v3;
	v6 =	vadd.f32 v6, v7;
	_ =	sdelay $0x1  }
0xc9: {  	v6 =	vadd.f32 v8, v6;
	_ =	sdelay $0x1  }
0xca: {  	[tilespmem:s8+$0x440] =	vst v6  }
0xcb: {  	v6 =	vld [tilespmem:s28+$0x450]  }
0xcc: {  	v7 =	vld [tilespmem:s7+$0x450];
	_ =	sdelay $0x1  }
0xcd: {  	v8 =	vld [tilespmem:s9+$0x450];
	_ =	sdelay $0x2  }
0xce: {  	v6 =	vmul.f32 v6, v5;
	v7 =	vmul.f32 v7, v4;
	_ =	sdelay $0x1  }
0xcf: {  	v8 =	vmul.f32 v8, v3;
	v6 =	vadd.f32 v7, v6;
	_ =	sdelay $0x1  }
0xd0: {  	v6 =	vadd.f32 v8, v6;
	_ =	sdelay $0x1  }
0xd1: {  	[tilespmem:s8+$0x450] =	vst v6  }
0xd2: {  	v6 =	vld [tilespmem:s28+$0x460]  }
0xd3: {  	v7 =	vld [tilespmem:s7+$0x460]  }
0xd4: {  	s29 =	simm.s32 $0x180;
	s12 =	simm.s32 $0x0;
	v8 =	vld [tilespmem:s9+$0x460]  }
0xd5: {  	s11 =	simm.s32 $0x0;
	s0 =	sshll.u32 s1, $0x5;
	s10 =	sadd.s32 $0x80, s30  }
.LBB2_3:
0xd6: {  	s6 =	sadd.s32 $0x80, s6;
	s11 =	sadd.s32 $0x100, s11;
	s12 =	sadd.s32 $0x300, s12  }
0xd7: {  	p1 =	sne.s32 s29, $0x1680;
	s13 =	smov.u32 s29;
	s29 =	sadd.s32 $0x180, s29;
	v6 =	vmul.f32 v6, v5  }
0xd8: {  	v7 =	vmul.f32 v7, v4  }
0xd9: {  	v8 =	vmul.f32 v8, v3  }
0xda: {  	v6 =	vadd.f32 v7, v6;
	_ =	sdelay $0x1  }
0xdb: {  	v6 =	vadd.f32 v8, v6;
	_ =	sdelay $0x1  }
0xdc: {  	[tilespmem:s8+$0x460] =	vst v6  }
0xdd: {  	v6 =	vld [tilespmem:s28+$0x470]  }
0xde: {  	v7 =	vld [tilespmem:s7+$0x470]  }
0xdf: {  	v8 =	vld [tilespmem:s9+$0x470];
	_ =	sdelay $0x2  }
0xe0: {  	v5 =	vmul.f32 v6, v5  }
0xe1: {  	s7 =	sadd.s32 $0x100, s12;
	s9 =	sadd.s32 $0x80, s13;
	v4 =	vmul.f32 v7, v4  }
0xe2: {  	s7 =	sand.u32 $0x7800, s7;
	s9 =	sand.u32 $0x380, s9;
	v3 =	vmul.f32 v8, v3  }
0xe3: {  	s7 =	sor.u32 s9, s7;
	v4 =	vadd.f32 v4, v5;
	_ =	sdelay $0x1  }
0xe4: {  	v3 =	vadd.f32 v3, v4;
	_ =	sdelay $0x1  }
0xe5: {  	s28 =	sand.u32 $0x380, s13;
	s9 =	sand.u32 $0x3800, s12;
	[tilespmem:s8+$0x470] =	vst v3  }
0xe6: {  	s8 =	sor.u32 s28, s9;
	v3 =	vld [tilespmem:s10+$0x0]  }
0xe7: {  	s13 =	sadd.s32 $0x100, s13;
	s9 =	sadd.s32 $0x200, s12;
	v6 =	vld [tilespmem:s8+$0x10600]  }
0xe8: {  	s13 =	sand.u32 $0x380, s13;
	s9 =	sand.u32 $0x7800, s9;
	v7 =	vld [tilespmem:s7+$0x10600]  }
0xe9: {  	s9 =	sor.u32 s13, s9  }
0xea: {  	v8 =	vld [tilespmem:s9+$0x10600]  }
0xeb: {  	v5 =	vbroadcast v3, $0x0;
	v4 =	vbroadcast v3, $0x1  }
0xec: {  	v3 =	vbroadcast v3, $0x2  }
0xed: {  	v6 =	vmul.f32 v5, v6;
	v7 =	vmul.f32 v7, v4  }
0xee: {  	s7 =	sadd.s32 $0x10600, s7  }
0xef: {  	v6 =	vadd.f32 v7, v6;
	v7 =	vmul.f32 v8, v3;
	_ =	sdelay $0x1  }
0xf0: {  	s28 =	sand.u32 $0x380, s6;
	s13 =	sand.u32 $0x800, s11;
	v6 =	vadd.f32 v7, v6  }
0xf1: {  	s13 =	sor.u32 s28, s13  }
0xf2: {  	s28 =	sadd.s32 $0x10600, s8;
	[tilespmem:s13+$0x16600] =	vst v6  }
0xf3: {  	v6 =	vld [tilespmem:s28+$0x10]  }
0xf4: {  	v7 =	vld [tilespmem:s7+$0x10]  }
0xf5: {  	s9 =	sadd.s32 $0x10600, s9  }
0xf6: {  	v8 =	vld [tilespmem:s9+$0x10];
	_ =	sdelay $0x1  }
0xf7: {  	v6 =	vmul.f32 v6, v5  }
0xf8: {  	v7 =	vmul.f32 v7, v4;
	_ =	sdelay $0x1  }
0xf9: {  	v6 =	vadd.f32 v7, v6;
	v7 =	vmul.f32 v8, v3;
	_ =	sdelay $0x1  }
0xfa: {  	v6 =	vadd.f32 v7, v6  }
0xfb: {  	s8 =	sadd.s32 $0x16600, s13  }
0xfc: {  	[tilespmem:s8+$0x10] =	vst v6  }
0xfd: {  	v6 =	vld [tilespmem:s28+$0x20]  }
0xfe: {  	v7 =	vld [tilespmem:s7+$0x20]  }
0xff: {  	v8 =	vld [tilespmem:s9+$0x20];
	_ =	sdelay $0x2  }
0x100: {  	v6 =	vmul.f32 v6, v5  }
0x101: {  	v7 =	vmul.f32 v7, v4  }
0x102: {  	v8 =	vmul.f32 v8, v3  }
0x103: {  	v6 =	vadd.f32 v7, v6;
	_ =	sdelay $0x1  }
0x104: {  	v6 =	vadd.f32 v8, v6;
	_ =	sdelay $0x1  }
0x105: {  	[tilespmem:s8+$0x20] =	vst v6  }
0x106: {  	v6 =	vld [tilespmem:s28+$0x30]  }
0x107: {  	v7 =	vld [tilespmem:s7+$0x30];
	_ =	sdelay $0x1  }
0x108: {  	v8 =	vld [tilespmem:s9+$0x30];
	_ =	sdelay $0x1  }
0x109: {  	v6 =	vmul.f32 v6, v5  }
0x10a: {  	v7 =	vmul.f32 v7, v4;
	_ =	sdelay $0x1  }
0x10b: {  	v6 =	vadd.f32 v7, v6;
	v7 =	vmul.f32 v8, v3;
	_ =	sdelay $0x1  }
0x10c: {  	v6 =	vadd.f32 v7, v6;
	_ =	sdelay $0x1  }
0x10d: {  	[tilespmem:s8+$0x30] =	vst v6  }
0x10e: {  	v6 =	vld [tilespmem:s28+$0x40]  }
0x10f: {  	v7 =	vld [tilespmem:s7+$0x40]  }
0x110: {  	v8 =	vld [tilespmem:s9+$0x40];
	_ =	sdelay $0x2  }
0x111: {  	v6 =	vmul.f32 v6, v5  }
0x112: {  	v7 =	vmul.f32 v7, v4  }
0x113: {  	v8 =	vmul.f32 v8, v3  }
0x114: {  	v6 =	vadd.f32 v7, v6;
	_ =	sdelay $0x1  }
0x115: {  	v6 =	vadd.f32 v8, v6;
	_ =	sdelay $0x1  }
0x116: {  	[tilespmem:s8+$0x40] =	vst v6  }
0x117: {  	v6 =	vld [tilespmem:s28+$0x50]  }
0x118: {  	v7 =	vld [tilespmem:s7+$0x50]  }
0x119: {  	v8 =	vld [tilespmem:s9+$0x50];
	_ =	sdelay $0x2  }
0x11a: {  	v6 =	vmul.f32 v6, v5  }
0x11b: {  	v7 =	vmul.f32 v7, v4  }
0x11c: {  	v8 =	vmul.f32 v8, v3  }
0x11d: {  	v6 =	vadd.f32 v7, v6;
	_ =	sdelay $0x1  }
0x11e: {  	v6 =	vadd.f32 v8, v6;
	_ =	sdelay $0x1  }
0x11f: {  	[tilespmem:s8+$0x50] =	vst v6  }
0x120: {  	v6 =	vld [tilespmem:s7+$0x60]  }
0x121: {  	v7 =	vld [tilespmem:s28+$0x60]  }
0x122: {  	v8 =	vld [tilespmem:s9+$0x60];
	_ =	sdelay $0x2  }
0x123: {  	v6 =	vmul.f32 v6, v4  }
0x124: {  	v7 =	vmul.f32 v7, v5  }
0x125: {  	v8 =	vmul.f32 v8, v3  }
0x126: {  	v6 =	vadd.f32 v6, v7;
	_ =	sdelay $0x1  }
0x127: {  	v6 =	vadd.f32 v8, v6;
	_ =	sdelay $0x1  }
0x128: {  	[tilespmem:s8+$0x60] =	vst v6  }
0x129: {  	v6 =	vld [tilespmem:s28+$0x70]  }
0x12a: {  	v7 =	vld [tilespmem:s7+$0x70]  }
0x12b: {  	v8 =	vld [tilespmem:s9+$0x70];
	_ =	sdelay $0x2  }
0x12c: {  	v6 =	vmul.f32 v6, v5  }
0x12d: {  	v7 =	vmul.f32 v7, v4  }
0x12e: {  	v8 =	vmul.f32 v8, v3  }
0x12f: {  	v6 =	vadd.f32 v7, v6;
	_ =	sdelay $0x1  }
0x130: {  	v6 =	vadd.f32 v8, v6;
	_ =	sdelay $0x1  }
0x131: {  	[tilespmem:s8+$0x70] =	vst v6  }
0x132: {  	v6 =	vld [tilespmem:s28+$0x400]  }
0x133: {  	v7 =	vld [tilespmem:s7+$0x400]  }
0x134: {  	v8 =	vld [tilespmem:s9+$0x400];
	_ =	sdelay $0x2  }
0x135: {  	v6 =	vmul.f32 v6, v5  }
0x136: {  	v7 =	vmul.f32 v7, v4  }
0x137: {  	v8 =	vmul.f32 v8, v3  }
0x138: {  	v6 =	vadd.f32 v7, v6;
	_ =	sdelay $0x1  }
0x139: {  	v6 =	vadd.f32 v8, v6;
	_ =	sdelay $0x1  }
0x13a: {  	[tilespmem:s8+$0x400] =	vst v6  }
0x13b: {  	v6 =	vld [tilespmem:s28+$0x410]  }
0x13c: {  	v7 =	vld [tilespmem:s7+$0x410]  }
0x13d: {  	v8 =	vld [tilespmem:s9+$0x410];
	_ =	sdelay $0x2  }
0x13e: {  	v6 =	vmul.f32 v6, v5  }
0x13f: {  	v7 =	vmul.f32 v7, v4  }
0x140: {  	v8 =	vmul.f32 v8, v3  }
0x141: {  	v6 =	vadd.f32 v7, v6;
	_ =	sdelay $0x1  }
0x142: {  	v6 =	vadd.f32 v8, v6;
	_ =	sdelay $0x1  }
0x143: {  	[tilespmem:s8+$0x410] =	vst v6  }
0x144: {  	v6 =	vld [tilespmem:s28+$0x420]  }
0x145: {  	v7 =	vld [tilespmem:s7+$0x420]  }
0x146: {  	v8 =	vld [tilespmem:s9+$0x420];
	_ =	sdelay $0x2  }
0x147: {  	v6 =	vmul.f32 v6, v5  }
0x148: {  	v7 =	vmul.f32 v7, v4  }
0x149: {  	v8 =	vmul.f32 v8, v3  }
0x14a: {  	v6 =	vadd.f32 v7, v6;
	_ =	sdelay $0x1  }
0x14b: {  	v6 =	vadd.f32 v8, v6;
	_ =	sdelay $0x1  }
0x14c: {  	[tilespmem:s8+$0x420] =	vst v6  }
0x14d: {  	v6 =	vld [tilespmem:s28+$0x430]  }
0x14e: {  	v7 =	vld [tilespmem:s7+$0x430]  }
0x14f: {  	v8 =	vld [tilespmem:s9+$0x430];
	_ =	sdelay $0x2  }
0x150: {  	v6 =	vmul.f32 v6, v5  }
0x151: {  	v7 =	vmul.f32 v7, v4  }
0x152: {  	v8 =	vmul.f32 v8, v3  }
0x153: {  	v6 =	vadd.f32 v7, v6;
	_ =	sdelay $0x1  }
0x154: {  	v6 =	vadd.f32 v8, v6;
	_ =	sdelay $0x1  }
0x155: {  	[tilespmem:s8+$0x430] =	vst v6  }
0x156: {  	v6 =	vld [tilespmem:s7+$0x440]  }
0x157: {  	v7 =	vld [tilespmem:s28+$0x440]  }
0x158: {  	v8 =	vld [tilespmem:s9+$0x440];
	_ =	sdelay $0x2  }
0x159: {  	v6 =	vmul.f32 v6, v4  }
0x15a: {  	v7 =	vmul.f32 v7, v5  }
0x15b: {  	v8 =	vmul.f32 v8, v3  }
0x15c: {  	v6 =	vadd.f32 v6, v7;
	_ =	sdelay $0x1  }
0x15d: {  	v6 =	vadd.f32 v8, v6;
	_ =	sdelay $0x1  }
0x15e: {  	[tilespmem:s8+$0x440] =	vst v6  }
0x15f: {  	v6 =	vld [tilespmem:s28+$0x450]  }
0x160: {  	v7 =	vld [tilespmem:s7+$0x450]  }
0x161: {  	v8 =	vld [tilespmem:s9+$0x450];
	_ =	sdelay $0x2  }
0x162: {  	v6 =	vmul.f32 v6, v5  }
0x163: {  	v7 =	vmul.f32 v7, v4  }
0x164: {  	v8 =	vmul.f32 v8, v3  }
0x165: {  	v6 =	vadd.f32 v7, v6;
	_ =	sdelay $0x1  }
0x166: {  	v6 =	vadd.f32 v8, v6;
	_ =	sdelay $0x1  }
.Ltmp2:
0x167: {  	[tilespmem:s8+$0x450] =	vst v6;
	(pc) =	sbr.rel @p1 .LBB2_3-.Ltmp2, $4  }
0x168: {  	v6 =	vld [tilespmem:s28+$0x460]  }
0x169: {  	v7 =	vld [tilespmem:s7+$0x460]  }
0x16a: {  	v8 =	vld [tilespmem:s9+$0x460]  }
0x16b: {  	s10 =	sadd.s32 $0x80, s10  }
0x16c: {  	_ =	sdelay $0x1  }
0x16d: {  	v6 =	vmul.f32 v6, v5;
	v7 =	vmul.f32 v7, v4;
	_ =	sdelay $0x1  }
0x16e: {  	v8 =	vmul.f32 v8, v3;
	v6 =	vadd.f32 v7, v6;
	_ =	sdelay $0x1  }
0x16f: {  	v6 =	vadd.f32 v8, v6;
	_ =	sdelay $0x1  }
0x170: {  	[tilespmem:s8+$0x460] =	vst v6  }
0x171: {  	v6 =	vld [tilespmem:s28+$0x470]  }
0x172: {  	v60 =	vld [tilespmem:s7+$0x470];
	_ =	sdelay $0x1  }
0x173: {  	v61 =	vld [tilespmem:s9+$0x470];
	_ =	sdelay $0x2  }
0x174: {  	v62 =	vmul.f32 v6, v5;
	v63 =	vmul.f32 v60, v4;
	_ =	sdelay $0x1  }
0x175: {  	p1 =	sne.s32 s1, $0xF;
	v3 =	vmul.f32 v61, v3;
	v4 =	vadd.f32 v63, v62  }
.Ltmp3:
0x176: {  	_ = 	snop;
	(pc) =	sbr.rel @p1 .LBB2_6-.Ltmp3, $4  }
0x177: {  	s6 =	sadd.s32 s5, s0;
	v3 =	vadd.f32 v3, v4  }
0x178: {  	s6 =	sshll.u32 s6, $0x5  }
0x179: {  	s6 =	sadd.s32 s4, s6;
	[tilespmem:s8+$0x470] =	vst v3  }
0x17a: {  	[hbm4b:s6+s3] =	stream.linear.scatter [tilespmem:s23], [sflag:$0x3], $0x1000, $0x38;
	[tilespmem:$0x18600] =	vst v63  }
.Ltmp4:
0x17b: {  	(pc) =	sbr.rel .LBB2_7-.Ltmp4, $4  }
0x17c: {  	_ = 	snop  }
0x17d: {  	_ =	swait.ge [sflag:s24], $0x3000  }
0x17e: {  	[sflag:s24] =	ssyncset.done $0x0  }
0x17f: {  	[sflag:s24] =	ssyncadd.s32 $0xFFFFD000  }
.LBB2_6:
0x180: {  	s6 =	smul.u32 $0x180, s1;
	_ =	sdelay $0x1  }
0x181: {  	s6 =	sshra.s32 s6, $0x2  }
0x182: {  	v3 =	vld [tilespmem:s6+$0x60];
	_ =	sdelay $0x4  }
0x183: {  	v4 =	vshll.u32 v3, $0x1  }
0x184: {  	v3 =	vand.u32 $0x7, v3;
	v4 =	vand.u32 $0xFFFFFFF0, v4  }
0x185: {  	v3 =	vor.u32 v3, v4  }
0x186: {  	v4 =	vperm.xlane v3, v0;
	_ =	sdelay $0x1  }
0x187: {  	v3 =	vperm.xlane v3, v2;
	v4 =	vadd.s32 v1, v4;
	_ =	sdelay $0x1  }
0x188: {  	v3 =	vadd.s32 v1, v3;
	_ =	sdelay $0x1  }
0x189: {  	s7 =	simm.s32 $0x10600  }
0x18a: {  	[tilespmem:s7], [sflag:$0x1] =	stream.indirect_vreg.gather [hbm4b:s2+s3], $0x80, v4, vm0, $0xb8;
	[tilespmem:$0x18600] =	vst v63  }
0x18b: {  	s13 =	simm.s32 $0x10E00  }
0x18c: {  	[tilespmem:s13], [sflag:$0x1] =	stream.indirect_vreg.gather [hbm4b:s2+s3], $0x80, v3, vm0, $0xb8;
	[tilespmem:$0x18600] =	vst v63  }
0x18d: {  	v3 =	vld [tilespmem:s6+$0x70];
	_ =	sdelay $0x4  }
0x18e: {  	v62 =	vshll.u32 v3, $0x1  }
0x18f: {  	v3 =	vand.u32 $0x7, v3;
	v4 =	vand.u32 $0xFFFFFFF0, v62  }
0x190: {  	v3 =	vor.u32 v3, v4  }
0x191: {  	v4 =	vperm.xlane v3, v0;
	_ =	sdelay $0x1  }
0x192: {  	v3 =	vperm.xlane v3, v2;
	v4 =	vadd.s32 v1, v4;
	_ =	sdelay $0x1  }
0x193: {  	v3 =	vadd.s32 v1, v3;
	_ =	sdelay $0x1  }
0x194: {  	s28 =	simm.s32 $0x11600  }
0x195: {  	[tilespmem:s28], [sflag:$0x1] =	stream.indirect_vreg.gather [hbm4b:s2+s3], $0x80, v4, vm0, $0xb8;
	[tilespmem:$0x18600] =	vst v63  }
0x196: {  	s29 =	simm.s32 $0x11E00  }
0x197: {  	[tilespmem:s29], [sflag:$0x1] =	stream.indirect_vreg.gather [hbm4b:s2+s3], $0x80, v3, vm0, $0xb8;
	[tilespmem:$0x18600] =	vst v63  }
0x198: {  	v3 =	vld [tilespmem:s6+$0x80];
	_ =	sdelay $0x4  }
0x199: {  	v63 =	vshll.u32 v3, $0x1  }
0x19a: {  	v3 =	vand.u32 $0x7, v3;
	v4 =	vand.u32 $0xFFFFFFF0, v63  }
0x19b: {  	v3 =	vor.u32 v3, v4  }
0x19c: {  	v4 =	vperm.xlane v3, v0;
	_ =	sdelay $0x1  }
0x19d: {  	v3 =	vperm.xlane v3, v2;
	v4 =	vadd.s32 v1, v4;
	_ =	sdelay $0x1  }
0x19e: {  	v3 =	vadd.s32 v1, v3;
	_ =	sdelay $0x2  }
0x19f: {  	[tilespmem:s14], [sflag:$0x1] =	stream.indirect_vreg.gather [hbm4b:s2+s3], $0x80, v4, vm0, $0xb8;
	[tilespmem:$0x18600] =	vst v63  }
.Ltmp5:
0x1a0: {  	_ = 	snop;
	(pc) =	sbr.rel @p0 .LBB2_8-.Ltmp5, $4  }
0x1a1: {  	[tilespmem:s15], [sflag:$0x1] =	stream.indirect_vreg.gather [hbm4b:s2+s3], $0x80, v3, vm0, $0xb8;
	[tilespmem:$0x18600] =	vst v63  }
0x1a2: {  	_ =	swait.ge [sflag:s24], $0x3000  }
0x1a3: {  	[sflag:s24] =	ssyncset.done $0x0  }
0x1a4: {  	[sflag:s24] =	ssyncadd.s32 $0xFFFFD000  }
.LBB2_7:
0x1a5: {  	_ =	swait.ge [sflag:s25], $0x1000  }
0x1a6: {  	[sflag:s25] =	ssyncset.done $0x0  }
0x1a7: {  	[sflag:s25] =	ssyncadd.s32 $0xFFFFF000  }
.LBB2_8:
0x1a8: {  	s6 =	simm.s32 $0x0;
	s7 =	simm.s32 $0x100  }
0x1a9: {  	s8 =	simm.s32 $0x80;
	s9 =	sand.u32 $0x3800, s6;
	s10 =	sand.u32 $0x380, s6  }
0x1aa: {  	v3 =	vld [tilespmem:s31+$0x0];
	s7 =	sand.u32 $0x7800, s7;
	s8 =	sand.u32 $0x380, s8;
	s9 =	sor.u32 s10, s9  }
0x1ab: {  	s11 =	simm.s32 $0x200;
	s12 =	simm.s32 $0x100;
	s7 =	sor.u32 s8, s7;
	v6 =	vld [tilespmem:s9+$0x13600]  }
0x1ac: {  	s8 =	sand.u32 $0x7800, s11;
	s10 =	sand.u32 $0x380, s12;
	v7 =	vld [tilespmem:s7+$0x13600]  }
0x1ad: {  	s8 =	sor.u32 s10, s8  }
0x1ae: {  	v8 =	vld [tilespmem:s8+$0x13600]  }
0x1af: {  	v5 =	vbroadcast v3, $0x0;
	v4 =	vbroadcast v3, $0x1  }
0x1b0: {  	v3 =	vbroadcast v3, $0x2  }
0x1b1: {  	v6 =	vmul.f32 v5, v6;
	v7 =	vmul.f32 v7, v4;
	_ =	sdelay $0x1  }
0x1b2: {  	v6 =	vadd.f32 v7, v6;
	v7 =	vmul.f32 v8, v3;
	_ =	sdelay $0x1  }
0x1b3: {  	s13 =	sand.u32 $0x800, s6;
	s11 =	sand.u32 $0x380, s6;
	v6 =	vadd.f32 v7, v6  }
0x1b4: {  	s10 =	sor.u32 s11, s13  }
0x1b5: {  	s28 =	sadd.s32 $0x13600, s9;
	[tilespmem:s10+$0x17600] =	vst v6  }
0x1b6: {  	s7 =	sadd.s32 $0x13600, s7;
	v6 =	vld [tilespmem:s28+$0x10]  }
0x1b7: {  	v7 =	vld [tilespmem:s7+$0x10]  }
0x1b8: {  	s9 =	sadd.s32 $0x13600, s8  }
0x1b9: {  	v8 =	vld [tilespmem:s9+$0x10];
	_ =	sdelay $0x2  }
0x1ba: {  	v6 =	vmul.f32 v6, v5;
	v7 =	vmul.f32 v7, v4;
	_ =	sdelay $0x1  }
0x1bb: {  	v6 =	vadd.f32 v7, v6;
	v7 =	vmul.f32 v8, v3;
	_ =	sdelay $0x1  }
0x1bc: {  	v6 =	vadd.f32 v7, v6  }
0x1bd: {  	s8 =	sadd.s32 $0x17600, s10  }
0x1be: {  	[tilespmem:s8+$0x10] =	vst v6  }
0x1bf: {  	v6 =	vld [tilespmem:s28+$0x20]  }
0x1c0: {  	v7 =	vld [tilespmem:s7+$0x20];
	_ =	sdelay $0x1  }
0x1c1: {  	v8 =	vld [tilespmem:s9+$0x20];
	_ =	sdelay $0x2  }
0x1c2: {  	v6 =	vmul.f32 v6, v5;
	v7 =	vmul.f32 v7, v4;
	_ =	sdelay $0x1  }
0x1c3: {  	v8 =	vmul.f32 v8, v3;
	v6 =	vadd.f32 v7, v6;
	_ =	sdelay $0x1  }
0x1c4: {  	v6 =	vadd.f32 v8, v6;
	_ =	sdelay $0x1  }
0x1c5: {  	[tilespmem:s8+$0x20] =	vst v6  }
0x1c6: {  	v6 =	vld [tilespmem:s28+$0x30]  }
0x1c7: {  	v7 =	vld [tilespmem:s7+$0x30];
	_ =	sdelay $0x1  }
0x1c8: {  	v8 =	vld [tilespmem:s9+$0x30];
	_ =	sdelay $0x2  }
0x1c9: {  	v6 =	vmul.f32 v6, v5;
	v7 =	vmul.f32 v7, v4;
	_ =	sdelay $0x1  }
0x1ca: {  	v6 =	vadd.f32 v7, v6;
	v7 =	vmul.f32 v8, v3;
	_ =	sdelay $0x1  }
0x1cb: {  	v6 =	vadd.f32 v7, v6;
	_ =	sdelay $0x1  }
0x1cc: {  	[tilespmem:s8+$0x30] =	vst v6  }
0x1cd: {  	v6 =	vld [tilespmem:s28+$0x40]  }
0x1ce: {  	v7 =	vld [tilespmem:s7+$0x40];
	_ =	sdelay $0x1  }
0x1cf: {  	v8 =	vld [tilespmem:s9+$0x40];
	_ =	sdelay $0x2  }
0x1d0: {  	v6 =	vmul.f32 v6, v5;
	v7 =	vmul.f32 v7, v4;
	_ =	sdelay $0x1  }
0x1d1: {  	v8 =	vmul.f32 v8, v3;
	v6 =	vadd.f32 v7, v6;
	_ =	sdelay $0x1  }
0x1d2: {  	v6 =	vadd.f32 v8, v6;
	_ =	sdelay $0x1  }
0x1d3: {  	[tilespmem:s8+$0x40] =	vst v6  }
0x1d4: {  	v6 =	vld [tilespmem:s28+$0x50]  }
0x1d5: {  	v7 =	vld [tilespmem:s7+$0x50];
	_ =	sdelay $0x1  }
0x1d6: {  	v8 =	vld [tilespmem:s9+$0x50];
	_ =	sdelay $0x2  }
0x1d7: {  	v6 =	vmul.f32 v6, v5;
	v7 =	vmul.f32 v7, v4;
	_ =	sdelay $0x1  }
0x1d8: {  	v8 =	vmul.f32 v8, v3;
	v6 =	vadd.f32 v7, v6;
	_ =	sdelay $0x1  }
0x1d9: {  	v6 =	vadd.f32 v8, v6;
	_ =	sdelay $0x1  }
0x1da: {  	[tilespmem:s8+$0x50] =	vst v6  }
0x1db: {  	v6 =	vld [tilespmem:s7+$0x60]  }
0x1dc: {  	v7 =	vld [tilespmem:s28+$0x60];
	_ =	sdelay $0x1  }
0x1dd: {  	v8 =	vld [tilespmem:s9+$0x60];
	_ =	sdelay $0x2  }
0x1de: {  	v6 =	vmul.f32 v6, v4;
	v7 =	vmul.f32 v7, v5;
	_ =	sdelay $0x1  }
0x1df: {  	v8 =	vmul.f32 v8, v3;
	v6 =	vadd.f32 v6, v7;
	_ =	sdelay $0x1  }
0x1e0: {  	v6 =	vadd.f32 v8, v6;
	_ =	sdelay $0x1  }
0x1e1: {  	[tilespmem:s8+$0x60] =	vst v6  }
0x1e2: {  	v6 =	vld [tilespmem:s28+$0x70]  }
0x1e3: {  	v7 =	vld [tilespmem:s7+$0x70];
	_ =	sdelay $0x1  }
0x1e4: {  	v8 =	vld [tilespmem:s9+$0x70];
	_ =	sdelay $0x2  }
0x1e5: {  	v6 =	vmul.f32 v6, v5;
	v7 =	vmul.f32 v7, v4;
	_ =	sdelay $0x1  }
0x1e6: {  	v8 =	vmul.f32 v8, v3;
	v6 =	vadd.f32 v7, v6;
	_ =	sdelay $0x1  }
0x1e7: {  	v6 =	vadd.f32 v8, v6;
	_ =	sdelay $0x1  }
0x1e8: {  	[tilespmem:s8+$0x70] =	vst v6  }
0x1e9: {  	v6 =	vld [tilespmem:s28+$0x400]  }
0x1ea: {  	v7 =	vld [tilespmem:s7+$0x400];
	_ =	sdelay $0x1  }
0x1eb: {  	v8 =	vld [tilespmem:s9+$0x400];
	_ =	sdelay $0x2  }
0x1ec: {  	v6 =	vmul.f32 v6, v5;
	v7 =	vmul.f32 v7, v4;
	_ =	sdelay $0x1  }
0x1ed: {  	v8 =	vmul.f32 v8, v3;
	v6 =	vadd.f32 v7, v6;
	_ =	sdelay $0x1  }
0x1ee: {  	v6 =	vadd.f32 v8, v6;
	_ =	sdelay $0x1  }
0x1ef: {  	[tilespmem:s8+$0x400] =	vst v6  }
0x1f0: {  	v6 =	vld [tilespmem:s28+$0x410]  }
0x1f1: {  	v7 =	vld [tilespmem:s7+$0x410];
	_ =	sdelay $0x1  }
0x1f2: {  	v8 =	vld [tilespmem:s9+$0x410];
	_ =	sdelay $0x2  }
0x1f3: {  	v6 =	vmul.f32 v6, v5;
	v7 =	vmul.f32 v7, v4;
	_ =	sdelay $0x1  }
0x1f4: {  	v8 =	vmul.f32 v8, v3;
	v6 =	vadd.f32 v7, v6;
	_ =	sdelay $0x1  }
0x1f5: {  	v6 =	vadd.f32 v8, v6;
	_ =	sdelay $0x1  }
0x1f6: {  	[tilespmem:s8+$0x410] =	vst v6  }
0x1f7: {  	v6 =	vld [tilespmem:s28+$0x420]  }
0x1f8: {  	v7 =	vld [tilespmem:s7+$0x420];
	_ =	sdelay $0x1  }
0x1f9: {  	v8 =	vld [tilespmem:s9+$0x420];
	_ =	sdelay $0x2  }
0x1fa: {  	v6 =	vmul.f32 v6, v5;
	v7 =	vmul.f32 v7, v4;
	_ =	sdelay $0x1  }
0x1fb: {  	v8 =	vmul.f32 v8, v3;
	v6 =	vadd.f32 v7, v6;
	_ =	sdelay $0x1  }
0x1fc: {  	v6 =	vadd.f32 v8, v6;
	_ =	sdelay $0x1  }
0x1fd: {  	[tilespmem:s8+$0x420] =	vst v6  }
0x1fe: {  	v6 =	vld [tilespmem:s28+$0x430]  }
0x1ff: {  	v7 =	vld [tilespmem:s7+$0x430];
	_ =	sdelay $0x1  }
0x200: {  	v8 =	vld [tilespmem:s9+$0x430];
	_ =	sdelay $0x2  }
0x201: {  	v6 =	vmul.f32 v6, v5;
	v7 =	vmul.f32 v7, v4;
	_ =	sdelay $0x1  }
0x202: {  	v8 =	vmul.f32 v8, v3;
	v6 =	vadd.f32 v7, v6;
	_ =	sdelay $0x1  }
0x203: {  	v6 =	vadd.f32 v8, v6;
	_ =	sdelay $0x1  }
0x204: {  	[tilespmem:s8+$0x430] =	vst v6  }
0x205: {  	v6 =	vld [tilespmem:s7+$0x440]  }
0x206: {  	v7 =	vld [tilespmem:s28+$0x440];
	_ =	sdelay $0x1  }
0x207: {  	v8 =	vld [tilespmem:s9+$0x440];
	_ =	sdelay $0x2  }
0x208: {  	v6 =	vmul.f32 v6, v4;
	v7 =	vmul.f32 v7, v5;
	_ =	sdelay $0x1  }
0x209: {  	v8 =	vmul.f32 v8, v3;
	v6 =	vadd.f32 v6, v7;
	_ =	sdelay $0x1  }
0x20a: {  	v6 =	vadd.f32 v8, v6;
	_ =	sdelay $0x1  }
0x20b: {  	[tilespmem:s8+$0x440] =	vst v6  }
0x20c: {  	v6 =	vld [tilespmem:s28+$0x450]  }
0x20d: {  	v7 =	vld [tilespmem:s7+$0x450];
	_ =	sdelay $0x1  }
0x20e: {  	v8 =	vld [tilespmem:s9+$0x450];
	_ =	sdelay $0x2  }
0x20f: {  	v6 =	vmul.f32 v6, v5;
	v7 =	vmul.f32 v7, v4;
	_ =	sdelay $0x1  }
0x210: {  	v8 =	vmul.f32 v8, v3;
	v6 =	vadd.f32 v7, v6;
	_ =	sdelay $0x1  }
0x211: {  	v6 =	vadd.f32 v8, v6;
	_ =	sdelay $0x1  }
0x212: {  	[tilespmem:s8+$0x450] =	vst v6  }
0x213: {  	v6 =	vld [tilespmem:s28+$0x460]  }
0x214: {  	v7 =	vld [tilespmem:s7+$0x460]  }
0x215: {  	s0 =	sor.u32 $0x10, s0;
	s29 =	simm.s32 $0x180;
	v8 =	vld [tilespmem:s9+$0x460]  }
0x216: {  	s12 =	simm.s32 $0x0;
	s11 =	simm.s32 $0x0;
	s10 =	sadd.s32 $0x80, s31  }
.LBB2_9:
0x217: {  	s6 =	sadd.s32 $0x80, s6;
	s11 =	sadd.s32 $0x100, s11;
	s12 =	sadd.s32 $0x300, s12  }
0x218: {  	p0 =	sne.s32 s29, $0x1680;
	s13 =	smov.u32 s29;
	s29 =	sadd.s32 $0x180, s29;
	v6 =	vmul.f32 v6, v5  }
0x219: {  	v7 =	vmul.f32 v7, v4  }
0x21a: {  	v8 =	vmul.f32 v8, v3  }
0x21b: {  	v6 =	vadd.f32 v7, v6;
	_ =	sdelay $0x1  }
0x21c: {  	v6 =	vadd.f32 v8, v6;
	_ =	sdelay $0x1  }
0x21d: {  	[tilespmem:s8+$0x460] =	vst v6  }
0x21e: {  	v6 =	vld [tilespmem:s28+$0x470]  }
0x21f: {  	v7 =	vld [tilespmem:s7+$0x470]  }
0x220: {  	v8 =	vld [tilespmem:s9+$0x470];
	_ =	sdelay $0x2  }
0x221: {  	v5 =	vmul.f32 v6, v5  }
0x222: {  	s7 =	sadd.s32 $0x100, s12;
	s9 =	sadd.s32 $0x80, s13;
	v4 =	vmul.f32 v7, v4  }
0x223: {  	s7 =	sand.u32 $0x7800, s7;
	s9 =	sand.u32 $0x380, s9;
	v3 =	vmul.f32 v8, v3  }
0x224: {  	s7 =	sor.u32 s9, s7;
	v4 =	vadd.f32 v4, v5;
	_ =	sdelay $0x1  }
0x225: {  	v3 =	vadd.f32 v3, v4;
	_ =	sdelay $0x1  }
0x226: {  	s28 =	sand.u32 $0x380, s13;
	s9 =	sand.u32 $0x3800, s12;
	[tilespmem:s8+$0x470] =	vst v3  }
0x227: {  	s8 =	sor.u32 s28, s9;
	v3 =	vld [tilespmem:s10+$0x0]  }
0x228: {  	s13 =	sadd.s32 $0x100, s13;
	s9 =	sadd.s32 $0x200, s12;
	v6 =	vld [tilespmem:s8+$0x13600]  }
0x229: {  	s13 =	sand.u32 $0x380, s13;
	s9 =	sand.u32 $0x7800, s9;
	v7 =	vld [tilespmem:s7+$0x13600]  }
0x22a: {  	s9 =	sor.u32 s13, s9  }
0x22b: {  	v8 =	vld [tilespmem:s9+$0x13600]  }
0x22c: {  	v5 =	vbroadcast v3, $0x0;
	v4 =	vbroadcast v3, $0x1  }
0x22d: {  	v3 =	vbroadcast v3, $0x2  }
0x22e: {  	v6 =	vmul.f32 v5, v6;
	v7 =	vmul.f32 v7, v4  }
0x22f: {  	s7 =	sadd.s32 $0x13600, s7  }
0x230: {  	v6 =	vadd.f32 v7, v6;
	v7 =	vmul.f32 v8, v3;
	_ =	sdelay $0x1  }
0x231: {  	s28 =	sand.u32 $0x380, s6;
	s13 =	sand.u32 $0x800, s11;
	v6 =	vadd.f32 v7, v6  }
0x232: {  	s13 =	sor.u32 s28, s13  }
0x233: {  	s28 =	sadd.s32 $0x13600, s8;
	[tilespmem:s13+$0x17600] =	vst v6  }
0x234: {  	v6 =	vld [tilespmem:s28+$0x10]  }
0x235: {  	v7 =	vld [tilespmem:s7+$0x10]  }
0x236: {  	s9 =	sadd.s32 $0x13600, s9  }
0x237: {  	v8 =	vld [tilespmem:s9+$0x10];
	_ =	sdelay $0x1  }
0x238: {  	v6 =	vmul.f32 v6, v5  }
0x239: {  	v7 =	vmul.f32 v7, v4;
	_ =	sdelay $0x1  }
0x23a: {  	v6 =	vadd.f32 v7, v6;
	v7 =	vmul.f32 v8, v3;
	_ =	sdelay $0x1  }
0x23b: {  	v6 =	vadd.f32 v7, v6  }
0x23c: {  	s8 =	sadd.s32 $0x17600, s13  }
0x23d: {  	[tilespmem:s8+$0x10] =	vst v6  }
0x23e: {  	v6 =	vld [tilespmem:s28+$0x20]  }
0x23f: {  	v7 =	vld [tilespmem:s7+$0x20]  }
0x240: {  	v8 =	vld [tilespmem:s9+$0x20];
	_ =	sdelay $0x2  }
0x241: {  	v6 =	vmul.f32 v6, v5  }
0x242: {  	v7 =	vmul.f32 v7, v4  }
0x243: {  	v8 =	vmul.f32 v8, v3  }
0x244: {  	v6 =	vadd.f32 v7, v6;
	_ =	sdelay $0x1  }
0x245: {  	v6 =	vadd.f32 v8, v6;
	_ =	sdelay $0x1  }
0x246: {  	[tilespmem:s8+$0x20] =	vst v6  }
0x247: {  	v6 =	vld [tilespmem:s28+$0x30]  }
0x248: {  	v7 =	vld [tilespmem:s7+$0x30];
	_ =	sdelay $0x1  }
0x249: {  	v8 =	vld [tilespmem:s9+$0x30];
	_ =	sdelay $0x1  }
0x24a: {  	v6 =	vmul.f32 v6, v5  }
0x24b: {  	v7 =	vmul.f32 v7, v4;
	_ =	sdelay $0x1  }
0x24c: {  	v6 =	vadd.f32 v7, v6;
	v7 =	vmul.f32 v8, v3;
	_ =	sdelay $0x1  }
0x24d: {  	v6 =	vadd.f32 v7, v6;
	_ =	sdelay $0x1  }
0x24e: {  	[tilespmem:s8+$0x30] =	vst v6  }
0x24f: {  	v6 =	vld [tilespmem:s28+$0x40]  }
0x250: {  	v7 =	vld [tilespmem:s7+$0x40]  }
0x251: {  	v8 =	vld [tilespmem:s9+$0x40];
	_ =	sdelay $0x2  }
0x252: {  	v6 =	vmul.f32 v6, v5  }
0x253: {  	v7 =	vmul.f32 v7, v4  }
0x254: {  	v8 =	vmul.f32 v8, v3  }
0x255: {  	v6 =	vadd.f32 v7, v6;
	_ =	sdelay $0x1  }
0x256: {  	v6 =	vadd.f32 v8, v6;
	_ =	sdelay $0x1  }
0x257: {  	[tilespmem:s8+$0x40] =	vst v6  }
0x258: {  	v6 =	vld [tilespmem:s28+$0x50]  }
0x259: {  	v7 =	vld [tilespmem:s7+$0x50]  }
0x25a: {  	v8 =	vld [tilespmem:s9+$0x50];
	_ =	sdelay $0x2  }
0x25b: {  	v6 =	vmul.f32 v6, v5  }
0x25c: {  	v7 =	vmul.f32 v7, v4  }
0x25d: {  	v8 =	vmul.f32 v8, v3  }
0x25e: {  	v6 =	vadd.f32 v7, v6;
	_ =	sdelay $0x1  }
0x25f: {  	v6 =	vadd.f32 v8, v6;
	_ =	sdelay $0x1  }
0x260: {  	[tilespmem:s8+$0x50] =	vst v6  }
0x261: {  	v6 =	vld [tilespmem:s7+$0x60]  }
0x262: {  	v7 =	vld [tilespmem:s28+$0x60]  }
0x263: {  	v8 =	vld [tilespmem:s9+$0x60];
	_ =	sdelay $0x2  }
0x264: {  	v6 =	vmul.f32 v6, v4  }
0x265: {  	v7 =	vmul.f32 v7, v5  }
0x266: {  	v8 =	vmul.f32 v8, v3  }
0x267: {  	v6 =	vadd.f32 v6, v7;
	_ =	sdelay $0x1  }
0x268: {  	v6 =	vadd.f32 v8, v6;
	_ =	sdelay $0x1  }
0x269: {  	[tilespmem:s8+$0x60] =	vst v6  }
0x26a: {  	v6 =	vld [tilespmem:s28+$0x70]  }
0x26b: {  	v7 =	vld [tilespmem:s7+$0x70]  }
0x26c: {  	v8 =	vld [tilespmem:s9+$0x70];
	_ =	sdelay $0x2  }
0x26d: {  	v6 =	vmul.f32 v6, v5  }
0x26e: {  	v7 =	vmul.f32 v7, v4  }
0x26f: {  	v8 =	vmul.f32 v8, v3  }
0x270: {  	v6 =	vadd.f32 v7, v6;
	_ =	sdelay $0x1  }
0x271: {  	v6 =	vadd.f32 v8, v6;
	_ =	sdelay $0x1  }
0x272: {  	[tilespmem:s8+$0x70] =	vst v6  }
0x273: {  	v6 =	vld [tilespmem:s28+$0x400]  }
0x274: {  	v7 =	vld [tilespmem:s7+$0x400]  }
0x275: {  	v8 =	vld [tilespmem:s9+$0x400];
	_ =	sdelay $0x2  }
0x276: {  	v6 =	vmul.f32 v6, v5  }
0x277: {  	v7 =	vmul.f32 v7, v4  }
0x278: {  	v8 =	vmul.f32 v8, v3  }
0x279: {  	v6 =	vadd.f32 v7, v6;
	_ =	sdelay $0x1  }
0x27a: {  	v6 =	vadd.f32 v8, v6;
	_ =	sdelay $0x1  }
0x27b: {  	[tilespmem:s8+$0x400] =	vst v6  }
0x27c: {  	v6 =	vld [tilespmem:s28+$0x410]  }
0x27d: {  	v7 =	vld [tilespmem:s7+$0x410]  }
0x27e: {  	v8 =	vld [tilespmem:s9+$0x410];
	_ =	sdelay $0x2  }
0x27f: {  	v6 =	vmul.f32 v6, v5  }
0x280: {  	v7 =	vmul.f32 v7, v4  }
0x281: {  	v8 =	vmul.f32 v8, v3  }
0x282: {  	v6 =	vadd.f32 v7, v6;
	_ =	sdelay $0x1  }
0x283: {  	v6 =	vadd.f32 v8, v6;
	_ =	sdelay $0x1  }
0x284: {  	[tilespmem:s8+$0x410] =	vst v6  }
0x285: {  	v6 =	vld [tilespmem:s28+$0x420]  }
0x286: {  	v7 =	vld [tilespmem:s7+$0x420]  }
0x287: {  	v8 =	vld [tilespmem:s9+$0x420];
	_ =	sdelay $0x2  }
0x288: {  	v6 =	vmul.f32 v6, v5  }
0x289: {  	v7 =	vmul.f32 v7, v4  }
0x28a: {  	v8 =	vmul.f32 v8, v3  }
0x28b: {  	v6 =	vadd.f32 v7, v6;
	_ =	sdelay $0x1  }
0x28c: {  	v6 =	vadd.f32 v8, v6;
	_ =	sdelay $0x1  }
0x28d: {  	[tilespmem:s8+$0x420] =	vst v6  }
0x28e: {  	v6 =	vld [tilespmem:s28+$0x430]  }
0x28f: {  	v7 =	vld [tilespmem:s7+$0x430]  }
0x290: {  	v8 =	vld [tilespmem:s9+$0x430];
	_ =	sdelay $0x2  }
0x291: {  	v6 =	vmul.f32 v6, v5  }
0x292: {  	v7 =	vmul.f32 v7, v4  }
0x293: {  	v8 =	vmul.f32 v8, v3  }
0x294: {  	v6 =	vadd.f32 v7, v6;
	_ =	sdelay $0x1  }
0x295: {  	v6 =	vadd.f32 v8, v6;
	_ =	sdelay $0x1  }
0x296: {  	[tilespmem:s8+$0x430] =	vst v6  }
0x297: {  	v6 =	vld [tilespmem:s7+$0x440]  }
0x298: {  	v7 =	vld [tilespmem:s28+$0x440]  }
0x299: {  	v8 =	vld [tilespmem:s9+$0x440];
	_ =	sdelay $0x2  }
0x29a: {  	v6 =	vmul.f32 v6, v4  }
0x29b: {  	v7 =	vmul.f32 v7, v5  }
0x29c: {  	v8 =	vmul.f32 v8, v3  }
0x29d: {  	v6 =	vadd.f32 v6, v7;
	_ =	sdelay $0x1  }
0x29e: {  	v6 =	vadd.f32 v8, v6;
	_ =	sdelay $0x1  }
0x29f: {  	[tilespmem:s8+$0x440] =	vst v6  }
0x2a0: {  	v6 =	vld [tilespmem:s28+$0x450]  }
0x2a1: {  	v7 =	vld [tilespmem:s7+$0x450]  }
0x2a2: {  	v8 =	vld [tilespmem:s9+$0x450];
	_ =	sdelay $0x2  }
0x2a3: {  	v6 =	vmul.f32 v6, v5  }
0x2a4: {  	v7 =	vmul.f32 v7, v4  }
0x2a5: {  	v8 =	vmul.f32 v8, v3  }
0x2a6: {  	v6 =	vadd.f32 v7, v6;
	_ =	sdelay $0x1  }
0x2a7: {  	v6 =	vadd.f32 v8, v6;
	_ =	sdelay $0x1  }
.Ltmp6:
0x2a8: {  	[tilespmem:s8+$0x450] =	vst v6;
	(pc) =	sbr.rel @p0 .LBB2_9-.Ltmp6, $4  }
0x2a9: {  	v6 =	vld [tilespmem:s28+$0x460]  }
0x2aa: {  	v7 =	vld [tilespmem:s7+$0x460]  }
0x2ab: {  	v8 =	vld [tilespmem:s9+$0x460]  }
0x2ac: {  	s10 =	sadd.s32 $0x80, s10  }
0x2ad: {  	_ =	sdelay $0x1  }
0x2ae: {  	v6 =	vmul.f32 v6, v5;
	v7 =	vmul.f32 v7, v4;
	_ =	sdelay $0x1  }
0x2af: {  	v8 =	vmul.f32 v8, v3;
	v6 =	vadd.f32 v7, v6;
	_ =	sdelay $0x1  }
0x2b0: {  	v6 =	vadd.f32 v8, v6;
	_ =	sdelay $0x1  }
0x2b1: {  	[tilespmem:s8+$0x460] =	vst v6  }
0x2b2: {  	v6 =	vld [tilespmem:s28+$0x470]  }
0x2b3: {  	v60 =	vld [tilespmem:s7+$0x470];
	_ =	sdelay $0x1  }
0x2b4: {  	v61 =	vld [tilespmem:s9+$0x470];
	_ =	sdelay $0x2  }
0x2b5: {  	v62 =	vmul.f32 v6, v5;
	v63 =	vmul.f32 v60, v4;
	_ =	sdelay $0x1  }
0x2b6: {  	p0 =	seq.s32 s1, $0xF;
	v3 =	vmul.f32 v61, v3;
	v4 =	vadd.f32 v63, v62  }
.Ltmp7:
0x2b7: {  	_ = 	snop;
	(pc) =	sbr.rel @p0 .LBB2_12-.Ltmp7, $4  }
0x2b8: {  	s0 =	sadd.s32 s5, s0;
	v3 =	vadd.f32 v3, v4  }
0x2b9: {  	s0 =	sshll.u32 s0, $0x5  }
0x2ba: {  	s0 =	sadd.s32 s4, s0;
	[tilespmem:s8+$0x470] =	vst v3  }
0x2bb: {  	[hbm4b:s0+s3] =	stream.linear.scatter [tilespmem:s26], [sflag:$0x4], $0x1000, $0x38;
	[tilespmem:$0x18600] =	vst v63  }
0x2bc: {  	s0 =	smul.u32 $0x180, s1;
	_ =	sdelay $0x1  }
0x2bd: {  	s0 =	sshra.s32 s0, $0x2  }
0x2be: {  	v3 =	vld [tilespmem:s0+$0x90];
	_ =	sdelay $0x4  }
0x2bf: {  	v4 =	vshll.u32 v3, $0x1  }
0x2c0: {  	v3 =	vand.u32 $0x7, v3;
	v4 =	vand.u32 $0xFFFFFFF0, v4  }
0x2c1: {  	v3 =	vor.u32 v3, v4  }
0x2c2: {  	v4 =	vperm.xlane v3, v0;
	_ =	sdelay $0x1  }
0x2c3: {  	v3 =	vperm.xlane v3, v2;
	v4 =	vadd.s32 v1, v4;
	_ =	sdelay $0x1  }
0x2c4: {  	v3 =	vadd.s32 v1, v3;
	_ =	sdelay $0x2  }
0x2c5: {  	[tilespmem:s16], [sflag:$0x2] =	stream.indirect_vreg.gather [hbm4b:s2+s3], $0x80, v4, vm0, $0xb8;
	[tilespmem:$0x18600] =	vst v63  }
0x2c6: {  	_ = 	snop  }
0x2c7: {  	[tilespmem:s17], [sflag:$0x2] =	stream.indirect_vreg.gather [hbm4b:s2+s3], $0x80, v3, vm0, $0xb8;
	[tilespmem:$0x18600] =	vst v63  }
0x2c8: {  	v3 =	vld [tilespmem:s0+$0xA0];
	_ =	sdelay $0x4  }
0x2c9: {  	v62 =	vshll.u32 v3, $0x1  }
0x2ca: {  	v3 =	vand.u32 $0x7, v3;
	v4 =	vand.u32 $0xFFFFFFF0, v62  }
0x2cb: {  	v3 =	vor.u32 v3, v4  }
0x2cc: {  	v4 =	vperm.xlane v3, v0;
	_ =	sdelay $0x1  }
0x2cd: {  	v3 =	vperm.xlane v3, v2;
	v4 =	vadd.s32 v1, v4;
	_ =	sdelay $0x1  }
0x2ce: {  	v3 =	vadd.s32 v1, v3;
	_ =	sdelay $0x2  }
0x2cf: {  	[tilespmem:s18], [sflag:$0x2] =	stream.indirect_vreg.gather [hbm4b:s2+s3], $0x80, v4, vm0, $0xb8;
	[tilespmem:$0x18600] =	vst v63  }
0x2d0: {  	_ = 	snop  }
0x2d1: {  	[tilespmem:s19], [sflag:$0x2] =	stream.indirect_vreg.gather [hbm4b:s2+s3], $0x80, v3, vm0, $0xb8;
	[tilespmem:$0x18600] =	vst v63  }
0x2d2: {  	v3 =	vld [tilespmem:s0+$0xB0];
	_ =	sdelay $0x4  }
0x2d3: {  	v63 =	vshll.u32 v3, $0x1  }
0x2d4: {  	v3 =	vand.u32 $0x7, v3;
	v4 =	vand.u32 $0xFFFFFFF0, v63  }
0x2d5: {  	v3 =	vor.u32 v3, v4  }
0x2d6: {  	v4 =	vperm.xlane v3, v0;
	_ =	sdelay $0x1  }
0x2d7: {  	v3 =	vperm.xlane v3, v2;
	v4 =	vadd.s32 v1, v4;
	_ =	sdelay $0x1  }
0x2d8: {  	v3 =	vadd.s32 v1, v3  }
.Ltmp8:
0x2d9: {  	_ = 	snop;
	(pc) =	sbr.rel .LBB2_2-.Ltmp8, $4  }
0x2da: {  	_ = 	snop  }
0x2db: {  	[tilespmem:s20], [sflag:$0x2] =	stream.indirect_vreg.gather [hbm4b:s2+s3], $0x80, v4, vm0, $0xb8;
	[tilespmem:$0x18600] =	vst v63  }
0x2dc: {  	s1 =	sadd.s32 $0x1, s1;
	s30 =	sadd.s32 $0x1000, s30;
	s31 =	sadd.s32 $0x1000, s31  }
0x2dd: {  	[tilespmem:s21], [sflag:$0x2] =	stream.indirect_vreg.gather [hbm4b:s2+s3], $0x80, v3, vm0, $0xb8;
	[tilespmem:$0x18600] =	vst v63  }
.LBB2_13:
0x2de: {  	_ =	sfence.sel $0x180000  }
0x2df: {  	[bflag:$0x0] =	sbarrier.arrive $0xFFFF  }
0x2e0: {  	_ =	strace $0x90000047  }
0x2e1: {  	s0 =	stileid.u32;
	[bflag:$0x2] =	sbarrier.arrive $0xFFFF  }
0x2e2: {  	p0 =	sne.s32 s0, $0x0;
	s0 =	rddreg [dreg:$0x2]  }
0x2e3: {  	s0 =	sadd.s32 @!p0 $0x100000, s0  }
0x2e4: {  	[sflag:s0] =	ssyncadd.tile.s32 @!p0 $0x1;
	_ =	shalt  }
.Lfunc_end2:
_tile_overlayer_lowered:
.L_overlay_start_2:
0x2e5: {  	(tag) =	ssettag $0x2  }
0x2e6: {  	s0 =	rddreg [dreg:$0x0];
	s2 =	stileid.u32  }
0x2e7: {  	s1 =	rddreg [dreg:$0x1];
	p0 =	sne.s32 s2, $0x0  }
0x2e8: {  	s3 =	rddreg [dreg:$0x2];
	[bflag:$0x3] =	sbarrier.arrive $0xFFFF;
	s2 =	simm.s32 @!p0 $0x1C05  }
0x2e9: {  	[timem:s3], [sflag:s2] =	dma.local @!p0 [hbm:s0], s1  }
0x2ea: {  	s0 =	simm.s32 @!p0 $0x5  }
0x2eb: {  	_ =	swait.ge @!p0 [sflag:s0], s1  }
0x2ec: {  	s1 =	ssub.s32 @!p0 $0x0, s1;
	[sflag:s0] =	ssyncset.done @!p0 $0x0  }
0x2ed: {  	[sflag:s0] =	ssyncadd.s32 @!p0 s1  }
0x2ee: {  	[bflag:$0x3] =	sbarrier.arrive $0xFFFF  }
0x2ef: {  	_ =	shalt  }

</sc_bundles>
